<compile_context>
chip_gen: v7x
topology: tpu7x:2x2x1
jax: 0.10.2.dev20260603
libtpu: 0.0.44.dev20260713+nightly
codegen_flags: <defaults>
</compile_context>

<pallas_src>
import functools

import jax
import jax.numpy as jnp
from jax import lax
from jax.experimental import pallas as pl
from jax.experimental.pallas import tpu as pltpu
from jax.experimental.pallas import tpu_sc as plsc

CHUNK = 128
NBUF = 4


def _make_sc_gather(n_chunks, chunks_c0, chunks_c1, hidden, nc, ns):
    mesh = plsc.VectorSubcoreMesh(core_axis_name="c", subcore_axis_name="s")
    assert ns * (chunks_c0 + chunks_c1) == n_chunks

    @functools.partial(
        pl.kernel,
        mesh=mesh,
        out_type=jax.ShapeDtypeStruct((n_chunks * CHUNK, hidden), jnp.float32),
        scratch_types=[
            pltpu.VMEM((chunks_c0 * CHUNK,), jnp.int32),
            pltpu.VMEM((NBUF, CHUNK, hidden), jnp.float32),
            pltpu.SemaphoreType.DMA,
        ],
    )
    def sc_gather(idx_hbm, table_hbm, out_hbm, idx_v, rows_v, sem):
        c = lax.axis_index("c")
        s = lax.axis_index("s")
        my_chunks = jnp.where(c == 0, chunks_c0, chunks_c1)
        chunk_base = jnp.where(
            c == 0, s * chunks_c0, ns * chunks_c0 + s * chunks_c1
        )
        row_base = pl.multiple_of(chunk_base * CHUNK, CHUNK)
        pltpu.sync_copy(
            idx_hbm.at[pl.ds(row_base, chunks_c0 * CHUNK)], idx_v
        )

        def copy_j(j):
            return pltpu.make_async_copy(
                table_hbm.at[idx_v.at[pl.ds(j * CHUNK, CHUNK)]],
                rows_v.at[j % NBUF],
                sem,
            )

        for step in range(chunks_c0 + NBUF - 1):
            if step < chunks_c0:

                @pl.when(step < my_chunks)
                def _(j=step):
                    copy_j(j).start()

            jj = step - (NBUF - 1)
            if 0 <= jj < chunks_c0:

                @pl.when(jj < my_chunks)
                def _(j=jj):
                    copy_j(j).wait()
                    out_row = pl.multiple_of(
                        (chunk_base + j) * CHUNK, CHUNK
                    )
                    pltpu.sync_copy(
                        rows_v.at[j % NBUF],
                        out_hbm.at[pl.ds(out_row, CHUNK)],
                    )

    return sc_gather


def _relu_ff_t_body(xt_ref, w2_ref, b2_ref, o_ref):
    h = lax.dot_general(
        xt_ref[...],
        w2_ref[...],
        (((0,), (0,)), ((), ())),
        preferred_element_type=jnp.float32,
    )
    o_ref[...] = jnp.maximum(h + b2_ref[...], 0.0)


def _out_softmax_t_body(h_ref, woutt_ref, boutt_ref, o_ref):
    l_blk, _, batch = o_ref.shape
    for i in range(l_blk):
        logits = lax.dot_general(
            woutt_ref[...],
            h_ref[pl.ds(i * batch, batch), :],
            (((1,), (1,)), ((), ())),
            preferred_element_type=jnp.float32,
        )
        logits = logits + boutt_ref[...]
        m = jnp.max(logits, axis=0, keepdims=True)
        e = jnp.exp(logits - m)
        o_ref[i] = e * (1.0 / jnp.sum(e, axis=0, keepdims=True))


def kernel(input_seq, output_seq, emb, W1, b1, W2, b2, Wout, bout):
    del input_seq, W1, b1

    batch, out_len = output_seq.shape
    n_rows = batch * out_len
    vocab, embed_dim = emb.shape
    hidden = W2.shape[1]
    out_vocab = Wout.shape[1]

    info = plsc.get_sparse_core_info()
    nc, ns = info.num_cores, info.num_subcores
    nw = nc * ns

    embT = jnp.transpose(emb)
    pre_rows = 12544
    htable = pl.pallas_call(
        _relu_ff_t_body,
        grid=(-(-vocab // pre_rows),),
        in_specs=[
            pl.BlockSpec((embed_dim, pre_rows), lambda i: (0, i)),
            pl.BlockSpec((embed_dim, hidden), lambda i: (0, 0)),
            pl.BlockSpec((1, hidden), lambda i: (0, 0)),
        ],
        out_specs=pl.BlockSpec((pre_rows, hidden), lambda i: (i, 0)),
        out_shape=jax.ShapeDtypeStruct((vocab, hidden), jnp.float32),
    )(embT, W2, b2.reshape(1, hidden))

    idx = jnp.transpose(output_seq).reshape(-1).astype(jnp.int32)
    n_chunks = n_rows // CHUNK
    per_pair = n_chunks // ns
    chunks_c0 = (2 * per_pair + 1) // 3 - 1
    chunks_c1 = per_pair - chunks_c0
    pad_chunks = max(
        0, ns * chunks_c0 + (ns - 1) * chunks_c1 + chunks_c0 - n_chunks
    )
    idx = jnp.pad(idx, (0, pad_chunks * CHUNK))

    gathered = _make_sc_gather(n_chunks, chunks_c0, chunks_c1, hidden, nc, ns)(
        idx, htable
    )

    l_blk = 2
    outT = pl.pallas_call(
        _out_softmax_t_body,
        grid=(out_len // l_blk,),
        in_specs=[
            pl.BlockSpec((l_blk * batch, hidden), lambda l: (l, 0)),
            pl.BlockSpec((out_vocab, hidden), lambda l: (0, 0)),
            pl.BlockSpec((out_vocab, 1), lambda l: (0, 0)),
        ],
        out_specs=pl.BlockSpec(
            (l_blk, out_vocab, batch), lambda l: (l, 0, 0)
        ),
        out_shape=jax.ShapeDtypeStruct(
            (out_len, out_vocab, batch), jnp.float32
        ),
        compiler_params=pltpu.CompilerParams(
            vmem_limit_bytes=100 * 1024 * 1024
        ),
    )(gathered, jnp.transpose(Wout), bout.reshape(out_vocab, 1))

    return jnp.transpose(outT, (2, 0, 1))

# --- scband reference (transcript-rebuilt; emitter-appended) ---
"""Pipeline reference for scband-feed-forward-model-45629732552711 (READ-ONLY COPY).

The authoritative reference and input builder live on the scoring server;
editing this copy changes nothing except your own understanding.
"""

import jax, jax.numpy as jnp
import numpy as np

INPUT_VOCAB = 100000
OUTPUT_VOCAB = 1000
EMBED_DIM = 64
HIDDEN = 128
BATCH = 1024
IN_LEN = 50
OUT_LEN = 50


def setup_inputs(seed: int = 0) -> dict:
    key = jax.random.key(seed)
    k1, k2, k3, k4, k5, k6, k7, k8, k9 = jax.random.split(key, 9)
    input_seq = jax.random.randint(k1, (BATCH, IN_LEN), 0, INPUT_VOCAB, dtype=jnp.int32).astype(jnp.int64)
    output_seq = jax.random.randint(k2, (BATCH, OUT_LEN), 0, INPUT_VOCAB, dtype=jnp.int32).astype(jnp.int64)
    emb = jax.random.normal(k3, (INPUT_VOCAB, EMBED_DIM), dtype=jnp.float32) * 0.05
    W1 = jax.random.normal(k4, (EMBED_DIM, HIDDEN), dtype=jnp.float32) * (1.0 / np.sqrt(EMBED_DIM))
    b1 = jnp.zeros((HIDDEN,), dtype=jnp.float32)
    W2 = jax.random.normal(k5, (EMBED_DIM, HIDDEN), dtype=jnp.float32) * (1.0 / np.sqrt(EMBED_DIM))
    b2 = jnp.zeros((HIDDEN,), dtype=jnp.float32)
    Wout = jax.random.normal(k6, (HIDDEN, OUTPUT_VOCAB), dtype=jnp.float32) * (1.0 / np.sqrt(HIDDEN))
    bout = jnp.zeros((OUTPUT_VOCAB,), dtype=jnp.float32)
    return {"input_seq": input_seq, "output_seq": output_seq, "emb": emb,
            "W1": W1, "b1": b1, "W2": W2, "b2": b2, "Wout": Wout, "bout": bout}


def reference(input_seq, output_seq, emb, W1, b1, W2, b2, Wout, bout):
    # Embedding lookups (shared table, as in the original module)
    embedded_input = jnp.take(emb, input_seq, axis=0)   # [B, IN_LEN, E]
    embedded_output = jnp.take(emb, output_seq, axis=0)  # [B, OUT_LEN, E]
    # ff_layer1 applied to embedded_input (computed but unused downstream, faithful to original)
    ff_output1 = jax.nn.relu(embedded_input @ W1 + b1)
    # ff_layer2 applied to embedded_output
    ff_output2 = jax.nn.relu(embedded_output @ W2 + b2)
    # output layer with softmax
    output_probs = jax.nn.softmax(ff_output2 @ Wout + bout, axis=-1)
    return output_probs

if __name__ == "__main__":
    import jax
    _d = setup_inputs()
    print(jax.jit(kernel)(*tuple(_d.values())))

</pallas_src>

<mosaic_0001>
#map = affine_map<(d0, d1) -> (0)>
#map1 = affine_map<(d0, d1) -> (0, 0)>
module attributes {stable_mosaic.version = 14 : i64} {
  func.func @sc_gather(%arg0: i32, %arg1: i32, %arg2: memref<52096xi32, #tpu.memory_space<hbm>>, %arg3: memref<100000x128xf32, #tpu.memory_space<hbm>>, %arg4: memref<51200x128xf32, #tpu.memory_space<hbm>>, %arg5: memref<2048xi32, #tpu.memory_space<vmem>>, %arg6: memref<4x128x128xf32, #tpu.memory_space<vmem>>, %arg7: memref<!tpu.dma_semaphore, #tpu.memory_space<semaphore_mem>>) attributes {dimension_semantics = [#tpu.dimension_semantics<core_parallel>, #tpu.dimension_semantics<subcore_parallel>], iteration_bounds = array<i64: 2, 16>, scalar_prefetch = 0 : i64, scratch_operands = 3 : i64, tpu.core_type = #tpu.core_type<sc_vector_subcore>, window_params = [{transform_indices = #map}, {transform_indices = #map1}, {transform_indices = #map1}]} {
    %eq3A = arith.constant 0 : i32
    %eq3A_0 = arith.cmpi eq, %arg0, %eq3A : i32
    %jit3A = arith.constant 16 : i32
    %jit3A_1 = arith.constant 9 : i32
    %select_n3A = arith.select %eq3A_0, %jit3A, %jit3A_1 : i32
    %eq3A_2 = arith.constant 0 : i32
    %eq3A_3 = arith.cmpi eq, %arg0, %eq3A_2 : i32
    %mul3A = arith.constant 16 : i32
    %mul3A_4 = arith.muli %arg1, %mul3A : i32
    %mul3A_5 = arith.constant 9 : i32
    %mul3A_6 = arith.muli %arg1, %mul3A_5 : i32
    %add3A = arith.constant 256 : i32
    %add3A_7 = arith.addi %add3A, %mul3A_6 : i32
    %select_n3A_8 = arith.select %eq3A_3, %mul3A_4, %add3A_7 : i32
    %mul3A_9 = arith.constant 128 : i32
    %mul3A_10 = arith.muli %select_n3A_8, %mul3A_9 : i32
    %multiple_of3A = tpu.assume_multiple %mul3A_10, 128 : i32
    "tpu.region"() ({
      %run_scoped3A = tpu.sem_alloc : memref<!tpu.dma_semaphore, #tpu.memory_space<semaphore_mem>>
      %dma_start3A = tpu.memref_slice %arg2[%multiple_of3A] : memref<52096xi32, #tpu.memory_space<hbm>> -> memref<2048xi32, #tpu.memory_space<hbm>>
      %dma_start3A_168 = tpu.memref_slice %arg2[%multiple_of3A] : memref<52096xi32, #tpu.memory_space<hbm>> -> memref<2048xi32, #tpu.memory_space<hbm>>
      tpu.enqueue_dma source(%dma_start3A_168 : memref<2048xi32, #tpu.memory_space<hbm>>) target(%arg5 : memref<2048xi32, #tpu.memory_space<vmem>>) target_semaphore(%run_scoped3A : memref<!tpu.dma_semaphore, #tpu.memory_space<semaphore_mem>>)
      %dma_wait3A = tpu.memref_slice %arg2[%multiple_of3A] : memref<52096xi32, #tpu.memory_space<hbm>> -> memref<2048xi32, #tpu.memory_space<hbm>>
      %dma_wait3A_169 = tpu.memref_slice %arg2[%multiple_of3A] : memref<52096xi32, #tpu.memory_space<hbm>> -> memref<2048xi32, #tpu.memory_space<hbm>>
      tpu.wait_dma2 semaphore(%run_scoped3A : memref<!tpu.dma_semaphore, #tpu.memory_space<semaphore_mem>>) src(%dma_wait3A_169 : memref<2048xi32, #tpu.memory_space<hbm>>) dst(%arg5 : memref<2048xi32, #tpu.memory_space<vmem>>)
      tpu.yield
    }) : () -> ()
    %gt3A = arith.constant 0 : i32
    %gt3A_11 = arith.cmpi sgt, %select_n3A, %gt3A : i32
    %convert_element_type3A = arith.extui %gt3A_11 : i1 to i32
    %cond3A = arith.constant 0 : i32
    %cond3A_12 = arith.cmpi ne, %convert_element_type3A, %cond3A : i32
    scf.if %cond3A_12 {
      %dma_start3A = arith.constant 0 : i32
      %dma_start3A_168 = arith.constant 0 : i32
      %dma_start3A_169 = arith.constant 0 : i32
      %dma_start3A_170 = tpu.memref_slice %arg6[%dma_start3A, %dma_start3A_168, %dma_start3A_169] : memref<4x128x128xf32, #tpu.memory_space<vmem>> -> memref<1x128x128xf32, #tpu.memory_space<vmem>>
      %dma_start3A_171 = tpu.memref_squeeze %dma_start3A_170 : memref<1x128x128xf32, #tpu.memory_space<vmem>> -> memref<128x128xf32, #tpu.memory_space<vmem>>
      %dma_start3A_172 = arith.constant 0 : i32
      %dma_start3A_173 = tpu.memref_slice %arg5[%dma_start3A_172] : memref<2048xi32, #tpu.memory_space<vmem>> -> memref<128xi32, #tpu.memory_space<vmem>>
      %dma_start3A_174 = arith.constant 0 : i32
      %dma_start3A_175 = arith.constant 0 : i32
      %dma_start3A_176 = tpu.memref_slice %arg3[%dma_start3A_174, %dma_start3A_175] : memref<100000x128xf32, #tpu.memory_space<hbm>> -> memref<100000x128xf32, #tpu.memory_space<hbm>>
      tpu.enqueue_indirect_dma source(%dma_start3A_176 : memref<100000x128xf32, #tpu.memory_space<hbm>>) target(%dma_start3A_171 : memref<128x128xf32, #tpu.memory_space<vmem>>) offsets(%dma_start3A_173 : memref<128xi32, #tpu.memory_space<vmem>>) semaphore(%arg7 : memref<!tpu.dma_semaphore, #tpu.memory_space<semaphore_mem>>)
    } else {
    }
    %gt3A_13 = arith.constant 1 : i32
    %gt3A_14 = arith.cmpi sgt, %select_n3A, %gt3A_13 : i32
    %convert_element_type3A_15 = arith.extui %gt3A_14 : i1 to i32
    %cond3A_16 = arith.constant 0 : i32
    %cond3A_17 = arith.cmpi ne, %convert_element_type3A_15, %cond3A_16 : i32
    scf.if %cond3A_17 {
      %dma_start3A = arith.constant 1 : i32
      %dma_start3A_168 = arith.constant 0 : i32
      %dma_start3A_169 = arith.constant 0 : i32
      %dma_start3A_170 = tpu.memref_slice %arg6[%dma_start3A, %dma_start3A_168, %dma_start3A_169] : memref<4x128x128xf32, #tpu.memory_space<vmem>> -> memref<1x128x128xf32, #tpu.memory_space<vmem>>
      %dma_start3A_171 = tpu.memref_squeeze %dma_start3A_170 : memref<1x128x128xf32, #tpu.memory_space<vmem>> -> memref<128x128xf32, #tpu.memory_space<vmem>>
      %dma_start3A_172 = arith.constant 128 : i32
      %dma_start3A_173 = tpu.memref_slice %arg5[%dma_start3A_172] : memref<2048xi32, #tpu.memory_space<vmem>> -> memref<128xi32, #tpu.memory_space<vmem>>
      %dma_start3A_174 = arith.constant 0 : i32
      %dma_start3A_175 = arith.constant 0 : i32
      %dma_start3A_176 = tpu.memref_slice %arg3[%dma_start3A_174, %dma_start3A_175] : memref<100000x128xf32, #tpu.memory_space<hbm>> -> memref<100000x128xf32, #tpu.memory_space<hbm>>
      tpu.enqueue_indirect_dma source(%dma_start3A_176 : memref<100000x128xf32, #tpu.memory_space<hbm>>) target(%dma_start3A_171 : memref<128x128xf32, #tpu.memory_space<vmem>>) offsets(%dma_start3A_173 : memref<128xi32, #tpu.memory_space<vmem>>) semaphore(%arg7 : memref<!tpu.dma_semaphore, #tpu.memory_space<semaphore_mem>>)
    } else {
    }
    %gt3A_18 = arith.constant 2 : i32
    %gt3A_19 = arith.cmpi sgt, %select_n3A, %gt3A_18 : i32
    %convert_element_type3A_20 = arith.extui %gt3A_19 : i1 to i32
    %cond3A_21 = arith.constant 0 : i32
    %cond3A_22 = arith.cmpi ne, %convert_element_type3A_20, %cond3A_21 : i32
    scf.if %cond3A_22 {
      %dma_start3A = arith.constant 2 : i32
      %dma_start3A_168 = arith.constant 0 : i32
      %dma_start3A_169 = arith.constant 0 : i32
      %dma_start3A_170 = tpu.memref_slice %arg6[%dma_start3A, %dma_start3A_168, %dma_start3A_169] : memref<4x128x128xf32, #tpu.memory_space<vmem>> -> memref<1x128x128xf32, #tpu.memory_space<vmem>>
      %dma_start3A_171 = tpu.memref_squeeze %dma_start3A_170 : memref<1x128x128xf32, #tpu.memory_space<vmem>> -> memref<128x128xf32, #tpu.memory_space<vmem>>
      %dma_start3A_172 = arith.constant 256 : i32
      %dma_start3A_173 = tpu.memref_slice %arg5[%dma_start3A_172] : memref<2048xi32, #tpu.memory_space<vmem>> -> memref<128xi32, #tpu.memory_space<vmem>>
      %dma_start3A_174 = arith.constant 0 : i32
      %dma_start3A_175 = arith.constant 0 : i32
      %dma_start3A_176 = tpu.memref_slice %arg3[%dma_start3A_174, %dma_start3A_175] : memref<100000x128xf32, #tpu.memory_space<hbm>> -> memref<100000x128xf32, #tpu.memory_space<hbm>>
      tpu.enqueue_indirect_dma source(%dma_start3A_176 : memref<100000x128xf32, #tpu.memory_space<hbm>>) target(%dma_start3A_171 : memref<128x128xf32, #tpu.memory_space<vmem>>) offsets(%dma_start3A_173 : memref<128xi32, #tpu.memory_space<vmem>>) semaphore(%arg7 : memref<!tpu.dma_semaphore, #tpu.memory_space<semaphore_mem>>)
    } else {
    }
    %gt3A_23 = arith.constant 3 : i32
    %gt3A_24 = arith.cmpi sgt, %select_n3A, %gt3A_23 : i32
    %convert_element_type3A_25 = arith.extui %gt3A_24 : i1 to i32
    %cond3A_26 = arith.constant 0 : i32
    %cond3A_27 = arith.cmpi ne, %convert_element_type3A_25, %cond3A_26 : i32
    scf.if %cond3A_27 {
      %dma_start3A = arith.constant 3 : i32
      %dma_start3A_168 = arith.constant 0 : i32
      %dma_start3A_169 = arith.constant 0 : i32
      %dma_start3A_170 = tpu.memref_slice %arg6[%dma_start3A, %dma_start3A_168, %dma_start3A_169] : memref<4x128x128xf32, #tpu.memory_space<vmem>> -> memref<1x128x128xf32, #tpu.memory_space<vmem>>
      %dma_start3A_171 = tpu.memref_squeeze %dma_start3A_170 : memref<1x128x128xf32, #tpu.memory_space<vmem>> -> memref<128x128xf32, #tpu.memory_space<vmem>>
      %dma_start3A_172 = arith.constant 384 : i32
      %dma_start3A_173 = tpu.memref_slice %arg5[%dma_start3A_172] : memref<2048xi32, #tpu.memory_space<vmem>> -> memref<128xi32, #tpu.memory_space<vmem>>
      %dma_start3A_174 = arith.constant 0 : i32
      %dma_start3A_175 = arith.constant 0 : i32
      %dma_start3A_176 = tpu.memref_slice %arg3[%dma_start3A_174, %dma_start3A_175] : memref<100000x128xf32, #tpu.memory_space<hbm>> -> memref<100000x128xf32, #tpu.memory_space<hbm>>
      tpu.enqueue_indirect_dma source(%dma_start3A_176 : memref<100000x128xf32, #tpu.memory_space<hbm>>) target(%dma_start3A_171 : memref<128x128xf32, #tpu.memory_space<vmem>>) offsets(%dma_start3A_173 : memref<128xi32, #tpu.memory_space<vmem>>) semaphore(%arg7 : memref<!tpu.dma_semaphore, #tpu.memory_space<semaphore_mem>>)
    } else {
    }
    %gt3A_28 = arith.constant 0 : i32
    %gt3A_29 = arith.cmpi sgt, %select_n3A, %gt3A_28 : i32
    %convert_element_type3A_30 = arith.extui %gt3A_29 : i1 to i32
    %cond3A_31 = arith.constant 0 : i32
    %cond3A_32 = arith.cmpi ne, %convert_element_type3A_30, %cond3A_31 : i32
    scf.if %cond3A_32 {
      %dma_wait3A = arith.constant 0 : i32
      %dma_wait3A_168 = arith.constant 0 : i32
      %dma_wait3A_169 = arith.constant 0 : i32
      %dma_wait3A_170 = tpu.memref_slice %arg6[%dma_wait3A, %dma_wait3A_168, %dma_wait3A_169] : memref<4x128x128xf32, #tpu.memory_space<vmem>> -> memref<1x128x128xf32, #tpu.memory_space<vmem>>
      %dma_wait3A_171 = tpu.memref_squeeze %dma_wait3A_170 : memref<1x128x128xf32, #tpu.memory_space<vmem>> -> memref<128x128xf32, #tpu.memory_space<vmem>>
      %dma_wait3A_172 = arith.constant 0 : i32
      %dma_wait3A_173 = tpu.memref_slice %arg5[%dma_wait3A_172] : memref<2048xi32, #tpu.memory_space<vmem>> -> memref<128xi32, #tpu.memory_space<vmem>>
      %dma_wait3A_174 = arith.constant 0 : i32
      %dma_wait3A_175 = arith.constant 0 : i32
      %dma_wait3A_176 = tpu.memref_slice %arg3[%dma_wait3A_174, %dma_wait3A_175] : memref<100000x128xf32, #tpu.memory_space<hbm>> -> memref<100000x128xf32, #tpu.memory_space<hbm>>
      tpu.wait_indirect_dma semaphore(%arg7 : memref<!tpu.dma_semaphore, #tpu.memory_space<semaphore_mem>>) src(%dma_wait3A_176 : memref<100000x128xf32, #tpu.memory_space<hbm>>) dst(%dma_wait3A_171 : memref<128x128xf32, #tpu.memory_space<vmem>>)
      %add3A_177 = arith.constant 0 : i32
      %add3A_178 = arith.addi %select_n3A_8, %add3A_177 : i32
      %mul3A_179 = arith.constant 128 : i32
      %mul3A_180 = arith.muli %add3A_178, %mul3A_179 : i32
      %multiple_of3A_181 = tpu.assume_multiple %mul3A_180, 128 : i32
      %run_scoped3A = arith.constant 0 : i32
      "tpu.region"() ({
        %run_scoped3A_182 = tpu.sem_alloc : memref<!tpu.dma_semaphore, #tpu.memory_space<semaphore_mem>>
        %dma_start3A = arith.constant 0 : i32
        %dma_start3A_183 = arith.constant 0 : i32
        %dma_start3A_184 = tpu.memref_slice %arg6[%run_scoped3A, %dma_start3A, %dma_start3A_183] : memref<4x128x128xf32, #tpu.memory_space<vmem>> -> memref<1x128x128xf32, #tpu.memory_space<vmem>>
        %dma_start3A_185 = tpu.memref_squeeze %dma_start3A_184 : memref<1x128x128xf32, #tpu.memory_space<vmem>> -> memref<128x128xf32, #tpu.memory_space<vmem>>
        %dma_start3A_186 = arith.constant 0 : i32
        %dma_start3A_187 = tpu.memref_slice %arg4[%multiple_of3A_181, %dma_start3A_186] : memref<51200x128xf32, #tpu.memory_space<hbm>> -> memref<128x128xf32, #tpu.memory_space<hbm>>
        %dma_start3A_188 = arith.constant 0 : i32
        %dma_start3A_189 = tpu.memref_slice %arg4[%multiple_of3A_181, %dma_start3A_188] : memref<51200x128xf32, #tpu.memory_space<hbm>> -> memref<128x128xf32, #tpu.memory_space<hbm>>
        %dma_start3A_190 = arith.constant 0 : i32
        %dma_start3A_191 = arith.constant 0 : i32
        %dma_start3A_192 = tpu.memref_slice %arg6[%run_scoped3A, %dma_start3A_190, %dma_start3A_191] : memref<4x128x128xf32, #tpu.memory_space<vmem>> -> memref<1x128x128xf32, #tpu.memory_space<vmem>>
        %dma_start3A_193 = tpu.memref_squeeze %dma_start3A_192 : memref<1x128x128xf32, #tpu.memory_space<vmem>> -> memref<128x128xf32, #tpu.memory_space<vmem>>
        tpu.enqueue_dma source(%dma_start3A_193 : memref<128x128xf32, #tpu.memory_space<vmem>>) target(%dma_start3A_189 : memref<128x128xf32, #tpu.memory_space<hbm>>) target_semaphore(%run_scoped3A_182 : memref<!tpu.dma_semaphore, #tpu.memory_space<semaphore_mem>>)
        %dma_wait3A_194 = arith.constant 0 : i32
        %dma_wait3A_195 = arith.constant 0 : i32
        %dma_wait3A_196 = tpu.memref_slice %arg6[%run_scoped3A, %dma_wait3A_194, %dma_wait3A_195] : memref<4x128x128xf32, #tpu.memory_space<vmem>> -> memref<1x128x128xf32, #tpu.memory_space<vmem>>
        %dma_wait3A_197 = tpu.memref_squeeze %dma_wait3A_196 : memref<1x128x128xf32, #tpu.memory_space<vmem>> -> memref<128x128xf32, #tpu.memory_space<vmem>>
        %dma_wait3A_198 = arith.constant 0 : i32
        %dma_wait3A_199 = tpu.memref_slice %arg4[%multiple_of3A_181, %dma_wait3A_198] : memref<51200x128xf32, #tpu.memory_space<hbm>> -> memref<128x128xf32, #tpu.memory_space<hbm>>
        %dma_wait3A_200 = arith.constant 0 : i32
        %dma_wait3A_201 = tpu.memref_slice %arg4[%multiple_of3A_181, %dma_wait3A_200] : memref<51200x128xf32, #tpu.memory_space<hbm>> -> memref<128x128xf32, #tpu.memory_space<hbm>>
        %dma_wait3A_202 = arith.constant 0 : i32
        %dma_wait3A_203 = arith.constant 0 : i32
        %dma_wait3A_204 = tpu.memref_slice %arg6[%run_scoped3A, %dma_wait3A_202, %dma_wait3A_203] : memref<4x128x128xf32, #tpu.memory_space<vmem>> -> memref<1x128x128xf32, #tpu.memory_space<vmem>>
        %dma_wait3A_205 = tpu.memref_squeeze %dma_wait3A_204 : memref<1x128x128xf32, #tpu.memory_space<vmem>> -> memref<128x128xf32, #tpu.memory_space<vmem>>
        tpu.wait_dma2 semaphore(%run_scoped3A_182 : memref<!tpu.dma_semaphore, #tpu.memory_space<semaphore_mem>>) src(%dma_wait3A_205 : memref<128x128xf32, #tpu.memory_space<vmem>>) dst(%dma_wait3A_201 : memref<128x128xf32, #tpu.memory_space<hbm>>)
        tpu.yield
      }) : () -> ()
    } else {
    }
    %gt3A_33 = arith.constant 4 : i32
    %gt3A_34 = arith.cmpi sgt, %select_n3A, %gt3A_33 : i32
    %convert_element_type3A_35 = arith.extui %gt3A_34 : i1 to i32
    %cond3A_36 = arith.constant 0 : i32
    %cond3A_37 = arith.cmpi ne, %convert_element_type3A_35, %cond3A_36 : i32
    scf.if %cond3A_37 {
      %dma_start3A = arith.constant 0 : i32
      %dma_start3A_168 = arith.constant 0 : i32
      %dma_start3A_169 = arith.constant 0 : i32
      %dma_start3A_170 = tpu.memref_slice %arg6[%dma_start3A, %dma_start3A_168, %dma_start3A_169] : memref<4x128x128xf32, #tpu.memory_space<vmem>> -> memref<1x128x128xf32, #tpu.memory_space<vmem>>
      %dma_start3A_171 = tpu.memref_squeeze %dma_start3A_170 : memref<1x128x128xf32, #tpu.memory_space<vmem>> -> memref<128x128xf32, #tpu.memory_space<vmem>>
      %dma_start3A_172 = arith.constant 512 : i32
      %dma_start3A_173 = tpu.memref_slice %arg5[%dma_start3A_172] : memref<2048xi32, #tpu.memory_space<vmem>> -> memref<128xi32, #tpu.memory_space<vmem>>
      %dma_start3A_174 = arith.constant 0 : i32
      %dma_start3A_175 = arith.constant 0 : i32
      %dma_start3A_176 = tpu.memref_slice %arg3[%dma_start3A_174, %dma_start3A_175] : memref<100000x128xf32, #tpu.memory_space<hbm>> -> memref<100000x128xf32, #tpu.memory_space<hbm>>
      tpu.enqueue_indirect_dma source(%dma_start3A_176 : memref<100000x128xf32, #tpu.memory_space<hbm>>) target(%dma_start3A_171 : memref<128x128xf32, #tpu.memory_space<vmem>>) offsets(%dma_start3A_173 : memref<128xi32, #tpu.memory_space<vmem>>) semaphore(%arg7 : memref<!tpu.dma_semaphore, #tpu.memory_space<semaphore_mem>>)
    } else {
    }
    %gt3A_38 = arith.constant 1 : i32
    %gt3A_39 = arith.cmpi sgt, %select_n3A, %gt3A_38 : i32
    %convert_element_type3A_40 = arith.extui %gt3A_39 : i1 to i32
    %cond3A_41 = arith.constant 0 : i32
    %cond3A_42 = arith.cmpi ne, %convert_element_type3A_40, %cond3A_41 : i32
    scf.if %cond3A_42 {
      %dma_wait3A = arith.constant 1 : i32
      %dma_wait3A_168 = arith.constant 0 : i32
      %dma_wait3A_169 = arith.constant 0 : i32
      %dma_wait3A_170 = tpu.memref_slice %arg6[%dma_wait3A, %dma_wait3A_168, %dma_wait3A_169] : memref<4x128x128xf32, #tpu.memory_space<vmem>> -> memref<1x128x128xf32, #tpu.memory_space<vmem>>
      %dma_wait3A_171 = tpu.memref_squeeze %dma_wait3A_170 : memref<1x128x128xf32, #tpu.memory_space<vmem>> -> memref<128x128xf32, #tpu.memory_space<vmem>>
      %dma_wait3A_172 = arith.constant 128 : i32
      %dma_wait3A_173 = tpu.memref_slice %arg5[%dma_wait3A_172] : memref<2048xi32, #tpu.memory_space<vmem>> -> memref<128xi32, #tpu.memory_space<vmem>>
      %dma_wait3A_174 = arith.constant 0 : i32
      %dma_wait3A_175 = arith.constant 0 : i32
      %dma_wait3A_176 = tpu.memref_slice %arg3[%dma_wait3A_174, %dma_wait3A_175] : memref<100000x128xf32, #tpu.memory_space<hbm>> -> memref<100000x128xf32, #tpu.memory_space<hbm>>
      tpu.wait_indirect_dma semaphore(%arg7 : memref<!tpu.dma_semaphore, #tpu.memory_space<semaphore_mem>>) src(%dma_wait3A_176 : memref<100000x128xf32, #tpu.memory_space<hbm>>) dst(%dma_wait3A_171 : memref<128x128xf32, #tpu.memory_space<vmem>>)
      %add3A_177 = arith.constant 1 : i32
      %add3A_178 = arith.addi %select_n3A_8, %add3A_177 : i32
      %mul3A_179 = arith.constant 128 : i32
      %mul3A_180 = arith.muli %add3A_178, %mul3A_179 : i32
      %multiple_of3A_181 = tpu.assume_multiple %mul3A_180, 128 : i32
      %run_scoped3A = arith.constant 1 : i32
      "tpu.region"() ({
        %run_scoped3A_182 = tpu.sem_alloc : memref<!tpu.dma_semaphore, #tpu.memory_space<semaphore_mem>>
        %dma_start3A = arith.constant 0 : i32
        %dma_start3A_183 = arith.constant 0 : i32
        %dma_start3A_184 = tpu.memref_slice %arg6[%run_scoped3A, %dma_start3A, %dma_start3A_183] : memref<4x128x128xf32, #tpu.memory_space<vmem>> -> memref<1x128x128xf32, #tpu.memory_space<vmem>>
        %dma_start3A_185 = tpu.memref_squeeze %dma_start3A_184 : memref<1x128x128xf32, #tpu.memory_space<vmem>> -> memref<128x128xf32, #tpu.memory_space<vmem>>
        %dma_start3A_186 = arith.constant 0 : i32
        %dma_start3A_187 = tpu.memref_slice %arg4[%multiple_of3A_181, %dma_start3A_186] : memref<51200x128xf32, #tpu.memory_space<hbm>> -> memref<128x128xf32, #tpu.memory_space<hbm>>
        %dma_start3A_188 = arith.constant 0 : i32
        %dma_start3A_189 = tpu.memref_slice %arg4[%multiple_of3A_181, %dma_start3A_188] : memref<51200x128xf32, #tpu.memory_space<hbm>> -> memref<128x128xf32, #tpu.memory_space<hbm>>
        %dma_start3A_190 = arith.constant 0 : i32
        %dma_start3A_191 = arith.constant 0 : i32
        %dma_start3A_192 = tpu.memref_slice %arg6[%run_scoped3A, %dma_start3A_190, %dma_start3A_191] : memref<4x128x128xf32, #tpu.memory_space<vmem>> -> memref<1x128x128xf32, #tpu.memory_space<vmem>>
        %dma_start3A_193 = tpu.memref_squeeze %dma_start3A_192 : memref<1x128x128xf32, #tpu.memory_space<vmem>> -> memref<128x128xf32, #tpu.memory_space<vmem>>
        tpu.enqueue_dma source(%dma_start3A_193 : memref<128x128xf32, #tpu.memory_space<vmem>>) target(%dma_start3A_189 : memref<128x128xf32, #tpu.memory_space<hbm>>) target_semaphore(%run_scoped3A_182 : memref<!tpu.dma_semaphore, #tpu.memory_space<semaphore_mem>>)
        %dma_wait3A_194 = arith.constant 0 : i32
        %dma_wait3A_195 = arith.constant 0 : i32
        %dma_wait3A_196 = tpu.memref_slice %arg6[%run_scoped3A, %dma_wait3A_194, %dma_wait3A_195] : memref<4x128x128xf32, #tpu.memory_space<vmem>> -> memref<1x128x128xf32, #tpu.memory_space<vmem>>
        %dma_wait3A_197 = tpu.memref_squeeze %dma_wait3A_196 : memref<1x128x128xf32, #tpu.memory_space<vmem>> -> memref<128x128xf32, #tpu.memory_space<vmem>>
        %dma_wait3A_198 = arith.constant 0 : i32
        %dma_wait3A_199 = tpu.memref_slice %arg4[%multiple_of3A_181, %dma_wait3A_198] : memref<51200x128xf32, #tpu.memory_space<hbm>> -> memref<128x128xf32, #tpu.memory_space<hbm>>
        %dma_wait3A_200 = arith.constant 0 : i32
        %dma_wait3A_201 = tpu.memref_slice %arg4[%multiple_of3A_181, %dma_wait3A_200] : memref<51200x128xf32, #tpu.memory_space<hbm>> -> memref<128x128xf32, #tpu.memory_space<hbm>>
        %dma_wait3A_202 = arith.constant 0 : i32
        %dma_wait3A_203 = arith.constant 0 : i32
        %dma_wait3A_204 = tpu.memref_slice %arg6[%run_scoped3A, %dma_wait3A_202, %dma_wait3A_203] : memref<4x128x128xf32, #tpu.memory_space<vmem>> -> memref<1x128x128xf32, #tpu.memory_space<vmem>>
        %dma_wait3A_205 = tpu.memref_squeeze %dma_wait3A_204 : memref<1x128x128xf32, #tpu.memory_space<vmem>> -> memref<128x128xf32, #tpu.memory_space<vmem>>
        tpu.wait_dma2 semaphore(%run_scoped3A_182 : memref<!tpu.dma_semaphore, #tpu.memory_space<semaphore_mem>>) src(%dma_wait3A_205 : memref<128x128xf32, #tpu.memory_space<vmem>>) dst(%dma_wait3A_201 : memref<128x128xf32, #tpu.memory_space<hbm>>)
        tpu.yield
      }) : () -> ()
    } else {
    }
    %gt3A_43 = arith.constant 5 : i32
    %gt3A_44 = arith.cmpi sgt, %select_n3A, %gt3A_43 : i32
    %convert_element_type3A_45 = arith.extui %gt3A_44 : i1 to i32
    %cond3A_46 = arith.constant 0 : i32
    %cond3A_47 = arith.cmpi ne, %convert_element_type3A_45, %cond3A_46 : i32
    scf.if %cond3A_47 {
      %dma_start3A = arith.constant 1 : i32
      %dma_start3A_168 = arith.constant 0 : i32
      %dma_start3A_169 = arith.constant 0 : i32
      %dma_start3A_170 = tpu.memref_slice %arg6[%dma_start3A, %dma_start3A_168, %dma_start3A_169] : memref<4x128x128xf32, #tpu.memory_space<vmem>> -> memref<1x128x128xf32, #tpu.memory_space<vmem>>
      %dma_start3A_171 = tpu.memref_squeeze %dma_start3A_170 : memref<1x128x128xf32, #tpu.memory_space<vmem>> -> memref<128x128xf32, #tpu.memory_space<vmem>>
      %dma_start3A_172 = arith.constant 640 : i32
      %dma_start3A_173 = tpu.memref_slice %arg5[%dma_start3A_172] : memref<2048xi32, #tpu.memory_space<vmem>> -> memref<128xi32, #tpu.memory_space<vmem>>
      %dma_start3A_174 = arith.constant 0 : i32
      %dma_start3A_175 = arith.constant 0 : i32
      %dma_start3A_176 = tpu.memref_slice %arg3[%dma_start3A_174, %dma_start3A_175] : memref<100000x128xf32, #tpu.memory_space<hbm>> -> memref<100000x128xf32, #tpu.memory_space<hbm>>
      tpu.enqueue_indirect_dma source(%dma_start3A_176 : memref<100000x128xf32, #tpu.memory_space<hbm>>) target(%dma_start3A_171 : memref<128x128xf32, #tpu.memory_space<vmem>>) offsets(%dma_start3A_173 : memref<128xi32, #tpu.memory_space<vmem>>) semaphore(%arg7 : memref<!tpu.dma_semaphore, #tpu.memory_space<semaphore_mem>>)
    } else {
    }
    %gt3A_48 = arith.constant 2 : i32
    %gt3A_49 = arith.cmpi sgt, %select_n3A, %gt3A_48 : i32
    %convert_element_type3A_50 = arith.extui %gt3A_49 : i1 to i32
    %cond3A_51 = arith.constant 0 : i32
    %cond3A_52 = arith.cmpi ne, %convert_element_type3A_50, %cond3A_51 : i32
    scf.if %cond3A_52 {
      %dma_wait3A = arith.constant 2 : i32
      %dma_wait3A_168 = arith.constant 0 : i32
      %dma_wait3A_169 = arith.constant 0 : i32
      %dma_wait3A_170 = tpu.memref_slice %arg6[%dma_wait3A, %dma_wait3A_168, %dma_wait3A_169] : memref<4x128x128xf32, #tpu.memory_space<vmem>> -> memref<1x128x128xf32, #tpu.memory_space<vmem>>
      %dma_wait3A_171 = tpu.memref_squeeze %dma_wait3A_170 : memref<1x128x128xf32, #tpu.memory_space<vmem>> -> memref<128x128xf32, #tpu.memory_space<vmem>>
      %dma_wait3A_172 = arith.constant 256 : i32
      %dma_wait3A_173 = tpu.memref_slice %arg5[%dma_wait3A_172] : memref<2048xi32, #tpu.memory_space<vmem>> -> memref<128xi32, #tpu.memory_space<vmem>>
      %dma_wait3A_174 = arith.constant 0 : i32
      %dma_wait3A_175 = arith.constant 0 : i32
      %dma_wait3A_176 = tpu.memref_slice %arg3[%dma_wait3A_174, %dma_wait3A_175] : memref<100000x128xf32, #tpu.memory_space<hbm>> -> memref<100000x128xf32, #tpu.memory_space<hbm>>
      tpu.wait_indirect_dma semaphore(%arg7 : memref<!tpu.dma_semaphore, #tpu.memory_space<semaphore_mem>>) src(%dma_wait3A_176 : memref<100000x128xf32, #tpu.memory_space<hbm>>) dst(%dma_wait3A_171 : memref<128x128xf32, #tpu.memory_space<vmem>>)
      %add3A_177 = arith.constant 2 : i32
      %add3A_178 = arith.addi %select_n3A_8, %add3A_177 : i32
      %mul3A_179 = arith.constant 128 : i32
      %mul3A_180 = arith.muli %add3A_178, %mul3A_179 : i32
      %multiple_of3A_181 = tpu.assume_multiple %mul3A_180, 128 : i32
      %run_scoped3A = arith.constant 2 : i32
      "tpu.region"() ({
        %run_scoped3A_182 = tpu.sem_alloc : memref<!tpu.dma_semaphore, #tpu.memory_space<semaphore_mem>>
        %dma_start3A = arith.constant 0 : i32
        %dma_start3A_183 = arith.constant 0 : i32
        %dma_start3A_184 = tpu.memref_slice %arg6[%run_scoped3A, %dma_start3A, %dma_start3A_183] : memref<4x128x128xf32, #tpu.memory_space<vmem>> -> memref<1x128x128xf32, #tpu.memory_space<vmem>>
        %dma_start3A_185 = tpu.memref_squeeze %dma_start3A_184 : memref<1x128x128xf32, #tpu.memory_space<vmem>> -> memref<128x128xf32, #tpu.memory_space<vmem>>
        %dma_start3A_186 = arith.constant 0 : i32
        %dma_start3A_187 = tpu.memref_slice %arg4[%multiple_of3A_181, %dma_start3A_186] : memref<51200x128xf32, #tpu.memory_space<hbm>> -> memref<128x128xf32, #tpu.memory_space<hbm>>
        %dma_start3A_188 = arith.constant 0 : i32
        %dma_start3A_189 = tpu.memref_slice %arg4[%multiple_of3A_181, %dma_start3A_188] : memref<51200x128xf32, #tpu.memory_space<hbm>> -> memref<128x128xf32, #tpu.memory_space<hbm>>
        %dma_start3A_190 = arith.constant 0 : i32
        %dma_start3A_191 = arith.constant 0 : i32
        %dma_start3A_192 = tpu.memref_slice %arg6[%run_scoped3A, %dma_start3A_190, %dma_start3A_191] : memref<4x128x128xf32, #tpu.memory_space<vmem>> -> memref<1x128x128xf32, #tpu.memory_space<vmem>>
        %dma_start3A_193 = tpu.memref_squeeze %dma_start3A_192 : memref<1x128x128xf32, #tpu.memory_space<vmem>> -> memref<128x128xf32, #tpu.memory_space<vmem>>
        tpu.enqueue_dma source(%dma_start3A_193 : memref<128x128xf32, #tpu.memory_space<vmem>>) target(%dma_start3A_189 : memref<128x128xf32, #tpu.memory_space<hbm>>) target_semaphore(%run_scoped3A_182 : memref<!tpu.dma_semaphore, #tpu.memory_space<semaphore_mem>>)
        %dma_wait3A_194 = arith.constant 0 : i32
        %dma_wait3A_195 = arith.constant 0 : i32
        %dma_wait3A_196 = tpu.memref_slice %arg6[%run_scoped3A, %dma_wait3A_194, %dma_wait3A_195] : memref<4x128x128xf32, #tpu.memory_space<vmem>> -> memref<1x128x128xf32, #tpu.memory_space<vmem>>
        %dma_wait3A_197 = tpu.memref_squeeze %dma_wait3A_196 : memref<1x128x128xf32, #tpu.memory_space<vmem>> -> memref<128x128xf32, #tpu.memory_space<vmem>>
        %dma_wait3A_198 = arith.constant 0 : i32
        %dma_wait3A_199 = tpu.memref_slice %arg4[%multiple_of3A_181, %dma_wait3A_198] : memref<51200x128xf32, #tpu.memory_space<hbm>> -> memref<128x128xf32, #tpu.memory_space<hbm>>
        %dma_wait3A_200 = arith.constant 0 : i32
        %dma_wait3A_201 = tpu.memref_slice %arg4[%multiple_of3A_181, %dma_wait3A_200] : memref<51200x128xf32, #tpu.memory_space<hbm>> -> memref<128x128xf32, #tpu.memory_space<hbm>>
        %dma_wait3A_202 = arith.constant 0 : i32
        %dma_wait3A_203 = arith.constant 0 : i32
        %dma_wait3A_204 = tpu.memref_slice %arg6[%run_scoped3A, %dma_wait3A_202, %dma_wait3A_203] : memref<4x128x128xf32, #tpu.memory_space<vmem>> -> memref<1x128x128xf32, #tpu.memory_space<vmem>>
        %dma_wait3A_205 = tpu.memref_squeeze %dma_wait3A_204 : memref<1x128x128xf32, #tpu.memory_space<vmem>> -> memref<128x128xf32, #tpu.memory_space<vmem>>
        tpu.wait_dma2 semaphore(%run_scoped3A_182 : memref<!tpu.dma_semaphore, #tpu.memory_space<semaphore_mem>>) src(%dma_wait3A_205 : memref<128x128xf32, #tpu.memory_space<vmem>>) dst(%dma_wait3A_201 : memref<128x128xf32, #tpu.memory_space<hbm>>)
        tpu.yield
      }) : () -> ()
    } else {
    }
    %gt3A_53 = arith.constant 6 : i32
    %gt3A_54 = arith.cmpi sgt, %select_n3A, %gt3A_53 : i32
    %convert_element_type3A_55 = arith.extui %gt3A_54 : i1 to i32
    %cond3A_56 = arith.constant 0 : i32
    %cond3A_57 = arith.cmpi ne, %convert_element_type3A_55, %cond3A_56 : i32
    scf.if %cond3A_57 {
      %dma_start3A = arith.constant 2 : i32
      %dma_start3A_168 = arith.constant 0 : i32
      %dma_start3A_169 = arith.constant 0 : i32
      %dma_start3A_170 = tpu.memref_slice %arg6[%dma_start3A, %dma_start3A_168, %dma_start3A_169] : memref<4x128x128xf32, #tpu.memory_space<vmem>> -> memref<1x128x128xf32, #tpu.memory_space<vmem>>
      %dma_start3A_171 = tpu.memref_squeeze %dma_start3A_170 : memref<1x128x128xf32, #tpu.memory_space<vmem>> -> memref<128x128xf32, #tpu.memory_space<vmem>>
      %dma_start3A_172 = arith.constant 768 : i32
      %dma_start3A_173 = tpu.memref_slice %arg5[%dma_start3A_172] : memref<2048xi32, #tpu.memory_space<vmem>> -> memref<128xi32, #tpu.memory_space<vmem>>
      %dma_start3A_174 = arith.constant 0 : i32
      %dma_start3A_175 = arith.constant 0 : i32
      %dma_start3A_176 = tpu.memref_slice %arg3[%dma_start3A_174, %dma_start3A_175] : memref<100000x128xf32, #tpu.memory_space<hbm>> -> memref<100000x128xf32, #tpu.memory_space<hbm>>
      tpu.enqueue_indirect_dma source(%dma_start3A_176 : memref<100000x128xf32, #tpu.memory_space<hbm>>) target(%dma_start3A_171 : memref<128x128xf32, #tpu.memory_space<vmem>>) offsets(%dma_start3A_173 : memref<128xi32, #tpu.memory_space<vmem>>) semaphore(%arg7 : memref<!tpu.dma_semaphore, #tpu.memory_space<semaphore_mem>>)
    } else {
    }
    %gt3A_58 = arith.constant 3 : i32
    %gt3A_59 = arith.cmpi sgt, %select_n3A, %gt3A_58 : i32
    %convert_element_type3A_60 = arith.extui %gt3A_59 : i1 to i32
    %cond3A_61 = arith.constant 0 : i32
    %cond3A_62 = arith.cmpi ne, %convert_element_type3A_60, %cond3A_61 : i32
    scf.if %cond3A_62 {
      %dma_wait3A = arith.constant 3 : i32
      %dma_wait3A_168 = arith.constant 0 : i32
      %dma_wait3A_169 = arith.constant 0 : i32
      %dma_wait3A_170 = tpu.memref_slice %arg6[%dma_wait3A, %dma_wait3A_168, %dma_wait3A_169] : memref<4x128x128xf32, #tpu.memory_space<vmem>> -> memref<1x128x128xf32, #tpu.memory_space<vmem>>
      %dma_wait3A_171 = tpu.memref_squeeze %dma_wait3A_170 : memref<1x128x128xf32, #tpu.memory_space<vmem>> -> memref<128x128xf32, #tpu.memory_space<vmem>>
      %dma_wait3A_172 = arith.constant 384 : i32
      %dma_wait3A_173 = tpu.memref_slice %arg5[%dma_wait3A_172] : memref<2048xi32, #tpu.memory_space<vmem>> -> memref<128xi32, #tpu.memory_space<vmem>>
      %dma_wait3A_174 = arith.constant 0 : i32
      %dma_wait3A_175 = arith.constant 0 : i32
      %dma_wait3A_176 = tpu.memref_slice %arg3[%dma_wait3A_174, %dma_wait3A_175] : memref<100000x128xf32, #tpu.memory_space<hbm>> -> memref<100000x128xf32, #tpu.memory_space<hbm>>
      tpu.wait_indirect_dma semaphore(%arg7 : memref<!tpu.dma_semaphore, #tpu.memory_space<semaphore_mem>>) src(%dma_wait3A_176 : memref<100000x128xf32, #tpu.memory_space<hbm>>) dst(%dma_wait3A_171 : memref<128x128xf32, #tpu.memory_space<vmem>>)
      %add3A_177 = arith.constant 3 : i32
      %add3A_178 = arith.addi %select_n3A_8, %add3A_177 : i32
      %mul3A_179 = arith.constant 128 : i32
      %mul3A_180 = arith.muli %add3A_178, %mul3A_179 : i32
      %multiple_of3A_181 = tpu.assume_multiple %mul3A_180, 128 : i32
      %run_scoped3A = arith.constant 3 : i32
      "tpu.region"() ({
        %run_scoped3A_182 = tpu.sem_alloc : memref<!tpu.dma_semaphore, #tpu.memory_space<semaphore_mem>>
        %dma_start3A = arith.constant 0 : i32
        %dma_start3A_183 = arith.constant 0 : i32
        %dma_start3A_184 = tpu.memref_slice %arg6[%run_scoped3A, %dma_start3A, %dma_start3A_183] : memref<4x128x128xf32, #tpu.memory_space<vmem>> -> memref<1x128x128xf32, #tpu.memory_space<vmem>>
        %dma_start3A_185 = tpu.memref_squeeze %dma_start3A_184 : memref<1x128x128xf32, #tpu.memory_space<vmem>> -> memref<128x128xf32, #tpu.memory_space<vmem>>
        %dma_start3A_186 = arith.constant 0 : i32
        %dma_start3A_187 = tpu.memref_slice %arg4[%multiple_of3A_181, %dma_start3A_186] : memref<51200x128xf32, #tpu.memory_space<hbm>> -> memref<128x128xf32, #tpu.memory_space<hbm>>
        %dma_start3A_188 = arith.constant 0 : i32
        %dma_start3A_189 = tpu.memref_slice %arg4[%multiple_of3A_181, %dma_start3A_188] : memref<51200x128xf32, #tpu.memory_space<hbm>> -> memref<128x128xf32, #tpu.memory_space<hbm>>
        %dma_start3A_190 = arith.constant 0 : i32
        %dma_start3A_191 = arith.constant 0 : i32
        %dma_start3A_192 = tpu.memref_slice %arg6[%run_scoped3A, %dma_start3A_190, %dma_start3A_191] : memref<4x128x128xf32, #tpu.memory_space<vmem>> -> memref<1x128x128xf32, #tpu.memory_space<vmem>>
        %dma_start3A_193 = tpu.memref_squeeze %dma_start3A_192 : memref<1x128x128xf32, #tpu.memory_space<vmem>> -> memref<128x128xf32, #tpu.memory_space<vmem>>
        tpu.enqueue_dma source(%dma_start3A_193 : memref<128x128xf32, #tpu.memory_space<vmem>>) target(%dma_start3A_189 : memref<128x128xf32, #tpu.memory_space<hbm>>) target_semaphore(%run_scoped3A_182 : memref<!tpu.dma_semaphore, #tpu.memory_space<semaphore_mem>>)
        %dma_wait3A_194 = arith.constant 0 : i32
        %dma_wait3A_195 = arith.constant 0 : i32
        %dma_wait3A_196 = tpu.memref_slice %arg6[%run_scoped3A, %dma_wait3A_194, %dma_wait3A_195] : memref<4x128x128xf32, #tpu.memory_space<vmem>> -> memref<1x128x128xf32, #tpu.memory_space<vmem>>
        %dma_wait3A_197 = tpu.memref_squeeze %dma_wait3A_196 : memref<1x128x128xf32, #tpu.memory_space<vmem>> -> memref<128x128xf32, #tpu.memory_space<vmem>>
        %dma_wait3A_198 = arith.constant 0 : i32
        %dma_wait3A_199 = tpu.memref_slice %arg4[%multiple_of3A_181, %dma_wait3A_198] : memref<51200x128xf32, #tpu.memory_space<hbm>> -> memref<128x128xf32, #tpu.memory_space<hbm>>
        %dma_wait3A_200 = arith.constant 0 : i32
        %dma_wait3A_201 = tpu.memref_slice %arg4[%multiple_of3A_181, %dma_wait3A_200] : memref<51200x128xf32, #tpu.memory_space<hbm>> -> memref<128x128xf32, #tpu.memory_space<hbm>>
        %dma_wait3A_202 = arith.constant 0 : i32
        %dma_wait3A_203 = arith.constant 0 : i32
        %dma_wait3A_204 = tpu.memref_slice %arg6[%run_scoped3A, %dma_wait3A_202, %dma_wait3A_203] : memref<4x128x128xf32, #tpu.memory_space<vmem>> -> memref<1x128x128xf32, #tpu.memory_space<vmem>>
        %dma_wait3A_205 = tpu.memref_squeeze %dma_wait3A_204 : memref<1x128x128xf32, #tpu.memory_space<vmem>> -> memref<128x128xf32, #tpu.memory_space<vmem>>
        tpu.wait_dma2 semaphore(%run_scoped3A_182 : memref<!tpu.dma_semaphore, #tpu.memory_space<semaphore_mem>>) src(%dma_wait3A_205 : memref<128x128xf32, #tpu.memory_space<vmem>>) dst(%dma_wait3A_201 : memref<128x128xf32, #tpu.memory_space<hbm>>)
        tpu.yield
      }) : () -> ()
    } else {
    }
    %gt3A_63 = arith.constant 7 : i32
    %gt3A_64 = arith.cmpi sgt, %select_n3A, %gt3A_63 : i32
    %convert_element_type3A_65 = arith.extui %gt3A_64 : i1 to i32
    %cond3A_66 = arith.constant 0 : i32
    %cond3A_67 = arith.cmpi ne, %convert_element_type3A_65, %cond3A_66 : i32
    scf.if %cond3A_67 {
      %dma_start3A = arith.constant 3 : i32
      %dma_start3A_168 = arith.constant 0 : i32
      %dma_start3A_169 = arith.constant 0 : i32
      %dma_start3A_170 = tpu.memref_slice %arg6[%dma_start3A, %dma_start3A_168, %dma_start3A_169] : memref<4x128x128xf32, #tpu.memory_space<vmem>> -> memref<1x128x128xf32, #tpu.memory_space<vmem>>
      %dma_start3A_171 = tpu.memref_squeeze %dma_start3A_170 : memref<1x128x128xf32, #tpu.memory_space<vmem>> -> memref<128x128xf32, #tpu.memory_space<vmem>>
      %dma_start3A_172 = arith.constant 896 : i32
      %dma_start3A_173 = tpu.memref_slice %arg5[%dma_start3A_172] : memref<2048xi32, #tpu.memory_space<vmem>> -> memref<128xi32, #tpu.memory_space<vmem>>
      %dma_start3A_174 = arith.constant 0 : i32
      %dma_start3A_175 = arith.constant 0 : i32
      %dma_start3A_176 = tpu.memref_slice %arg3[%dma_start3A_174, %dma_start3A_175] : memref<100000x128xf32, #tpu.memory_space<hbm>> -> memref<100000x128xf32, #tpu.memory_space<hbm>>
      tpu.enqueue_indirect_dma source(%dma_start3A_176 : memref<100000x128xf32, #tpu.memory_space<hbm>>) target(%dma_start3A_171 : memref<128x128xf32, #tpu.memory_space<vmem>>) offsets(%dma_start3A_173 : memref<128xi32, #tpu.memory_space<vmem>>) semaphore(%arg7 : memref<!tpu.dma_semaphore, #tpu.memory_space<semaphore_mem>>)
    } else {
    }
    %gt3A_68 = arith.constant 4 : i32
    %gt3A_69 = arith.cmpi sgt, %select_n3A, %gt3A_68 : i32
    %convert_element_type3A_70 = arith.extui %gt3A_69 : i1 to i32
    %cond3A_71 = arith.constant 0 : i32
    %cond3A_72 = arith.cmpi ne, %convert_element_type3A_70, %cond3A_71 : i32
    scf.if %cond3A_72 {
      %dma_wait3A = arith.constant 0 : i32
      %dma_wait3A_168 = arith.constant 0 : i32
      %dma_wait3A_169 = arith.constant 0 : i32
      %dma_wait3A_170 = tpu.memref_slice %arg6[%dma_wait3A, %dma_wait3A_168, %dma_wait3A_169] : memref<4x128x128xf32, #tpu.memory_space<vmem>> -> memref<1x128x128xf32, #tpu.memory_space<vmem>>
      %dma_wait3A_171 = tpu.memref_squeeze %dma_wait3A_170 : memref<1x128x128xf32, #tpu.memory_space<vmem>> -> memref<128x128xf32, #tpu.memory_space<vmem>>
      %dma_wait3A_172 = arith.constant 512 : i32
      %dma_wait3A_173 = tpu.memref_slice %arg5[%dma_wait3A_172] : memref<2048xi32, #tpu.memory_space<vmem>> -> memref<128xi32, #tpu.memory_space<vmem>>
      %dma_wait3A_174 = arith.constant 0 : i32
      %dma_wait3A_175 = arith.constant 0 : i32
      %dma_wait3A_176 = tpu.memref_slice %arg3[%dma_wait3A_174, %dma_wait3A_175] : memref<100000x128xf32, #tpu.memory_space<hbm>> -> memref<100000x128xf32, #tpu.memory_space<hbm>>
      tpu.wait_indirect_dma semaphore(%arg7 : memref<!tpu.dma_semaphore, #tpu.memory_space<semaphore_mem>>) src(%dma_wait3A_176 : memref<100000x128xf32, #tpu.memory_space<hbm>>) dst(%dma_wait3A_171 : memref<128x128xf32, #tpu.memory_space<vmem>>)
      %add3A_177 = arith.constant 4 : i32
      %add3A_178 = arith.addi %select_n3A_8, %add3A_177 : i32
      %mul3A_179 = arith.constant 128 : i32
      %mul3A_180 = arith.muli %add3A_178, %mul3A_179 : i32
      %multiple_of3A_181 = tpu.assume_multiple %mul3A_180, 128 : i32
      %run_scoped3A = arith.constant 0 : i32
      "tpu.region"() ({
        %run_scoped3A_182 = tpu.sem_alloc : memref<!tpu.dma_semaphore, #tpu.memory_space<semaphore_mem>>
        %dma_start3A = arith.constant 0 : i32
        %dma_start3A_183 = arith.constant 0 : i32
        %dma_start3A_184 = tpu.memref_slice %arg6[%run_scoped3A, %dma_start3A, %dma_start3A_183] : memref<4x128x128xf32, #tpu.memory_space<vmem>> -> memref<1x128x128xf32, #tpu.memory_space<vmem>>
        %dma_start3A_185 = tpu.memref_squeeze %dma_start3A_184 : memref<1x128x128xf32, #tpu.memory_space<vmem>> -> memref<128x128xf32, #tpu.memory_space<vmem>>
        %dma_start3A_186 = arith.constant 0 : i32
        %dma_start3A_187 = tpu.memref_slice %arg4[%multiple_of3A_181, %dma_start3A_186] : memref<51200x128xf32, #tpu.memory_space<hbm>> -> memref<128x128xf32, #tpu.memory_space<hbm>>
        %dma_start3A_188 = arith.constant 0 : i32
        %dma_start3A_189 = tpu.memref_slice %arg4[%multiple_of3A_181, %dma_start3A_188] : memref<51200x128xf32, #tpu.memory_space<hbm>> -> memref<128x128xf32, #tpu.memory_space<hbm>>
        %dma_start3A_190 = arith.constant 0 : i32
        %dma_start3A_191 = arith.constant 0 : i32
        %dma_start3A_192 = tpu.memref_slice %arg6[%run_scoped3A, %dma_start3A_190, %dma_start3A_191] : memref<4x128x128xf32, #tpu.memory_space<vmem>> -> memref<1x128x128xf32, #tpu.memory_space<vmem>>
        %dma_start3A_193 = tpu.memref_squeeze %dma_start3A_192 : memref<1x128x128xf32, #tpu.memory_space<vmem>> -> memref<128x128xf32, #tpu.memory_space<vmem>>
        tpu.enqueue_dma source(%dma_start3A_193 : memref<128x128xf32, #tpu.memory_space<vmem>>) target(%dma_start3A_189 : memref<128x128xf32, #tpu.memory_space<hbm>>) target_semaphore(%run_scoped3A_182 : memref<!tpu.dma_semaphore, #tpu.memory_space<semaphore_mem>>)
        %dma_wait3A_194 = arith.constant 0 : i32
        %dma_wait3A_195 = arith.constant 0 : i32
        %dma_wait3A_196 = tpu.memref_slice %arg6[%run_scoped3A, %dma_wait3A_194, %dma_wait3A_195] : memref<4x128x128xf32, #tpu.memory_space<vmem>> -> memref<1x128x128xf32, #tpu.memory_space<vmem>>
        %dma_wait3A_197 = tpu.memref_squeeze %dma_wait3A_196 : memref<1x128x128xf32, #tpu.memory_space<vmem>> -> memref<128x128xf32, #tpu.memory_space<vmem>>
        %dma_wait3A_198 = arith.constant 0 : i32
        %dma_wait3A_199 = tpu.memref_slice %arg4[%multiple_of3A_181, %dma_wait3A_198] : memref<51200x128xf32, #tpu.memory_space<hbm>> -> memref<128x128xf32, #tpu.memory_space<hbm>>
        %dma_wait3A_200 = arith.constant 0 : i32
        %dma_wait3A_201 = tpu.memref_slice %arg4[%multiple_of3A_181, %dma_wait3A_200] : memref<51200x128xf32, #tpu.memory_space<hbm>> -> memref<128x128xf32, #tpu.memory_space<hbm>>
        %dma_wait3A_202 = arith.constant 0 : i32
        %dma_wait3A_203 = arith.constant 0 : i32
        %dma_wait3A_204 = tpu.memref_slice %arg6[%run_scoped3A, %dma_wait3A_202, %dma_wait3A_203] : memref<4x128x128xf32, #tpu.memory_space<vmem>> -> memref<1x128x128xf32, #tpu.memory_space<vmem>>
        %dma_wait3A_205 = tpu.memref_squeeze %dma_wait3A_204 : memref<1x128x128xf32, #tpu.memory_space<vmem>> -> memref<128x128xf32, #tpu.memory_space<vmem>>
        tpu.wait_dma2 semaphore(%run_scoped3A_182 : memref<!tpu.dma_semaphore, #tpu.memory_space<semaphore_mem>>) src(%dma_wait3A_205 : memref<128x128xf32, #tpu.memory_space<vmem>>) dst(%dma_wait3A_201 : memref<128x128xf32, #tpu.memory_space<hbm>>)
        tpu.yield
      }) : () -> ()
    } else {
    }
    %gt3A_73 = arith.constant 8 : i32
    %gt3A_74 = arith.cmpi sgt, %select_n3A, %gt3A_73 : i32
    %convert_element_type3A_75 = arith.extui %gt3A_74 : i1 to i32
    %cond3A_76 = arith.constant 0 : i32
    %cond3A_77 = arith.cmpi ne, %convert_element_type3A_75, %cond3A_76 : i32
    scf.if %cond3A_77 {
      %dma_start3A = arith.constant 0 : i32
      %dma_start3A_168 = arith.constant 0 : i32
      %dma_start3A_169 = arith.constant 0 : i32
      %dma_start3A_170 = tpu.memref_slice %arg6[%dma_start3A, %dma_start3A_168, %dma_start3A_169] : memref<4x128x128xf32, #tpu.memory_space<vmem>> -> memref<1x128x128xf32, #tpu.memory_space<vmem>>
      %dma_start3A_171 = tpu.memref_squeeze %dma_start3A_170 : memref<1x128x128xf32, #tpu.memory_space<vmem>> -> memref<128x128xf32, #tpu.memory_space<vmem>>
      %dma_start3A_172 = arith.constant 1024 : i32
      %dma_start3A_173 = tpu.memref_slice %arg5[%dma_start3A_172] : memref<2048xi32, #tpu.memory_space<vmem>> -> memref<128xi32, #tpu.memory_space<vmem>>
      %dma_start3A_174 = arith.constant 0 : i32
      %dma_start3A_175 = arith.constant 0 : i32
      %dma_start3A_176 = tpu.memref_slice %arg3[%dma_start3A_174, %dma_start3A_175] : memref<100000x128xf32, #tpu.memory_space<hbm>> -> memref<100000x128xf32, #tpu.memory_space<hbm>>
      tpu.enqueue_indirect_dma source(%dma_start3A_176 : memref<100000x128xf32, #tpu.memory_space<hbm>>) target(%dma_start3A_171 : memref<128x128xf32, #tpu.memory_space<vmem>>) offsets(%dma_start3A_173 : memref<128xi32, #tpu.memory_space<vmem>>) semaphore(%arg7 : memref<!tpu.dma_semaphore, #tpu.memory_space<semaphore_mem>>)
    } else {
    }
    %gt3A_78 = arith.constant 5 : i32
    %gt3A_79 = arith.cmpi sgt, %select_n3A, %gt3A_78 : i32
    %convert_element_type3A_80 = arith.extui %gt3A_79 : i1 to i32
    %cond3A_81 = arith.constant 0 : i32
    %cond3A_82 = arith.cmpi ne, %convert_element_type3A_80, %cond3A_81 : i32
    scf.if %cond3A_82 {
      %dma_wait3A = arith.constant 1 : i32
      %dma_wait3A_168 = arith.constant 0 : i32
      %dma_wait3A_169 = arith.constant 0 : i32
      %dma_wait3A_170 = tpu.memref_slice %arg6[%dma_wait3A, %dma_wait3A_168, %dma_wait3A_169] : memref<4x128x128xf32, #tpu.memory_space<vmem>> -> memref<1x128x128xf32, #tpu.memory_space<vmem>>
      %dma_wait3A_171 = tpu.memref_squeeze %dma_wait3A_170 : memref<1x128x128xf32, #tpu.memory_space<vmem>> -> memref<128x128xf32, #tpu.memory_space<vmem>>
      %dma_wait3A_172 = arith.constant 640 : i32
      %dma_wait3A_173 = tpu.memref_slice %arg5[%dma_wait3A_172] : memref<2048xi32, #tpu.memory_space<vmem>> -> memref<128xi32, #tpu.memory_space<vmem>>
      %dma_wait3A_174 = arith.constant 0 : i32
      %dma_wait3A_175 = arith.constant 0 : i32
      %dma_wait3A_176 = tpu.memref_slice %arg3[%dma_wait3A_174, %dma_wait3A_175] : memref<100000x128xf32, #tpu.memory_space<hbm>> -> memref<100000x128xf32, #tpu.memory_space<hbm>>
      tpu.wait_indirect_dma semaphore(%arg7 : memref<!tpu.dma_semaphore, #tpu.memory_space<semaphore_mem>>) src(%dma_wait3A_176 : memref<100000x128xf32, #tpu.memory_space<hbm>>) dst(%dma_wait3A_171 : memref<128x128xf32, #tpu.memory_space<vmem>>)
      %add3A_177 = arith.constant 5 : i32
      %add3A_178 = arith.addi %select_n3A_8, %add3A_177 : i32
      %mul3A_179 = arith.constant 128 : i32
      %mul3A_180 = arith.muli %add3A_178, %mul3A_179 : i32
      %multiple_of3A_181 = tpu.assume_multiple %mul3A_180, 128 : i32
      %run_scoped3A = arith.constant 1 : i32
      "tpu.region"() ({
        %run_scoped3A_182 = tpu.sem_alloc : memref<!tpu.dma_semaphore, #tpu.memory_space<semaphore_mem>>
        %dma_start3A = arith.constant 0 : i32
        %dma_start3A_183 = arith.constant 0 : i32
        %dma_start3A_184 = tpu.memref_slice %arg6[%run_scoped3A, %dma_start3A, %dma_start3A_183] : memref<4x128x128xf32, #tpu.memory_space<vmem>> -> memref<1x128x128xf32, #tpu.memory_space<vmem>>
        %dma_start3A_185 = tpu.memref_squeeze %dma_start3A_184 : memref<1x128x128xf32, #tpu.memory_space<vmem>> -> memref<128x128xf32, #tpu.memory_space<vmem>>
        %dma_start3A_186 = arith.constant 0 : i32
        %dma_start3A_187 = tpu.memref_slice %arg4[%multiple_of3A_181, %dma_start3A_186] : memref<51200x128xf32, #tpu.memory_space<hbm>> -> memref<128x128xf32, #tpu.memory_space<hbm>>
        %dma_start3A_188 = arith.constant 0 : i32
        %dma_start3A_189 = tpu.memref_slice %arg4[%multiple_of3A_181, %dma_start3A_188] : memref<51200x128xf32, #tpu.memory_space<hbm>> -> memref<128x128xf32, #tpu.memory_space<hbm>>
        %dma_start3A_190 = arith.constant 0 : i32
        %dma_start3A_191 = arith.constant 0 : i32
        %dma_start3A_192 = tpu.memref_slice %arg6[%run_scoped3A, %dma_start3A_190, %dma_start3A_191] : memref<4x128x128xf32, #tpu.memory_space<vmem>> -> memref<1x128x128xf32, #tpu.memory_space<vmem>>
        %dma_start3A_193 = tpu.memref_squeeze %dma_start3A_192 : memref<1x128x128xf32, #tpu.memory_space<vmem>> -> memref<128x128xf32, #tpu.memory_space<vmem>>
        tpu.enqueue_dma source(%dma_start3A_193 : memref<128x128xf32, #tpu.memory_space<vmem>>) target(%dma_start3A_189 : memref<128x128xf32, #tpu.memory_space<hbm>>) target_semaphore(%run_scoped3A_182 : memref<!tpu.dma_semaphore, #tpu.memory_space<semaphore_mem>>)
        %dma_wait3A_194 = arith.constant 0 : i32
        %dma_wait3A_195 = arith.constant 0 : i32
        %dma_wait3A_196 = tpu.memref_slice %arg6[%run_scoped3A, %dma_wait3A_194, %dma_wait3A_195] : memref<4x128x128xf32, #tpu.memory_space<vmem>> -> memref<1x128x128xf32, #tpu.memory_space<vmem>>
        %dma_wait3A_197 = tpu.memref_squeeze %dma_wait3A_196 : memref<1x128x128xf32, #tpu.memory_space<vmem>> -> memref<128x128xf32, #tpu.memory_space<vmem>>
        %dma_wait3A_198 = arith.constant 0 : i32
        %dma_wait3A_199 = tpu.memref_slice %arg4[%multiple_of3A_181, %dma_wait3A_198] : memref<51200x128xf32, #tpu.memory_space<hbm>> -> memref<128x128xf32, #tpu.memory_space<hbm>>
        %dma_wait3A_200 = arith.constant 0 : i32
        %dma_wait3A_201 = tpu.memref_slice %arg4[%multiple_of3A_181, %dma_wait3A_200] : memref<51200x128xf32, #tpu.memory_space<hbm>> -> memref<128x128xf32, #tpu.memory_space<hbm>>
        %dma_wait3A_202 = arith.constant 0 : i32
        %dma_wait3A_203 = arith.constant 0 : i32
        %dma_wait3A_204 = tpu.memref_slice %arg6[%run_scoped3A, %dma_wait3A_202, %dma_wait3A_203] : memref<4x128x128xf32, #tpu.memory_space<vmem>> -> memref<1x128x128xf32, #tpu.memory_space<vmem>>
        %dma_wait3A_205 = tpu.memref_squeeze %dma_wait3A_204 : memref<1x128x128xf32, #tpu.memory_space<vmem>> -> memref<128x128xf32, #tpu.memory_space<vmem>>
        tpu.wait_dma2 semaphore(%run_scoped3A_182 : memref<!tpu.dma_semaphore, #tpu.memory_space<semaphore_mem>>) src(%dma_wait3A_205 : memref<128x128xf32, #tpu.memory_space<vmem>>) dst(%dma_wait3A_201 : memref<128x128xf32, #tpu.memory_space<hbm>>)
        tpu.yield
      }) : () -> ()
    } else {
    }
    %gt3A_83 = arith.constant 9 : i32
    %gt3A_84 = arith.cmpi sgt, %select_n3A, %gt3A_83 : i32
    %convert_element_type3A_85 = arith.extui %gt3A_84 : i1 to i32
    %cond3A_86 = arith.constant 0 : i32
    %cond3A_87 = arith.cmpi ne, %convert_element_type3A_85, %cond3A_86 : i32
    scf.if %cond3A_87 {
      %dma_start3A = arith.constant 1 : i32
      %dma_start3A_168 = arith.constant 0 : i32
      %dma_start3A_169 = arith.constant 0 : i32
      %dma_start3A_170 = tpu.memref_slice %arg6[%dma_start3A, %dma_start3A_168, %dma_start3A_169] : memref<4x128x128xf32, #tpu.memory_space<vmem>> -> memref<1x128x128xf32, #tpu.memory_space<vmem>>
      %dma_start3A_171 = tpu.memref_squeeze %dma_start3A_170 : memref<1x128x128xf32, #tpu.memory_space<vmem>> -> memref<128x128xf32, #tpu.memory_space<vmem>>
      %dma_start3A_172 = arith.constant 1152 : i32
      %dma_start3A_173 = tpu.memref_slice %arg5[%dma_start3A_172] : memref<2048xi32, #tpu.memory_space<vmem>> -> memref<128xi32, #tpu.memory_space<vmem>>
      %dma_start3A_174 = arith.constant 0 : i32
      %dma_start3A_175 = arith.constant 0 : i32
      %dma_start3A_176 = tpu.memref_slice %arg3[%dma_start3A_174, %dma_start3A_175] : memref<100000x128xf32, #tpu.memory_space<hbm>> -> memref<100000x128xf32, #tpu.memory_space<hbm>>
      tpu.enqueue_indirect_dma source(%dma_start3A_176 : memref<100000x128xf32, #tpu.memory_space<hbm>>) target(%dma_start3A_171 : memref<128x128xf32, #tpu.memory_space<vmem>>) offsets(%dma_start3A_173 : memref<128xi32, #tpu.memory_space<vmem>>) semaphore(%arg7 : memref<!tpu.dma_semaphore, #tpu.memory_space<semaphore_mem>>)
    } else {
    }
    %gt3A_88 = arith.constant 6 : i32
    %gt3A_89 = arith.cmpi sgt, %select_n3A, %gt3A_88 : i32
    %convert_element_type3A_90 = arith.extui %gt3A_89 : i1 to i32
    %cond3A_91 = arith.constant 0 : i32
    %cond3A_92 = arith.cmpi ne, %convert_element_type3A_90, %cond3A_91 : i32
    scf.if %cond3A_92 {
      %dma_wait3A = arith.constant 2 : i32
      %dma_wait3A_168 = arith.constant 0 : i32
      %dma_wait3A_169 = arith.constant 0 : i32
      %dma_wait3A_170 = tpu.memref_slice %arg6[%dma_wait3A, %dma_wait3A_168, %dma_wait3A_169] : memref<4x128x128xf32, #tpu.memory_space<vmem>> -> memref<1x128x128xf32, #tpu.memory_space<vmem>>
      %dma_wait3A_171 = tpu.memref_squeeze %dma_wait3A_170 : memref<1x128x128xf32, #tpu.memory_space<vmem>> -> memref<128x128xf32, #tpu.memory_space<vmem>>
      %dma_wait3A_172 = arith.constant 768 : i32
      %dma_wait3A_173 = tpu.memref_slice %arg5[%dma_wait3A_172] : memref<2048xi32, #tpu.memory_space<vmem>> -> memref<128xi32, #tpu.memory_space<vmem>>
      %dma_wait3A_174 = arith.constant 0 : i32
      %dma_wait3A_175 = arith.constant 0 : i32
      %dma_wait3A_176 = tpu.memref_slice %arg3[%dma_wait3A_174, %dma_wait3A_175] : memref<100000x128xf32, #tpu.memory_space<hbm>> -> memref<100000x128xf32, #tpu.memory_space<hbm>>
      tpu.wait_indirect_dma semaphore(%arg7 : memref<!tpu.dma_semaphore, #tpu.memory_space<semaphore_mem>>) src(%dma_wait3A_176 : memref<100000x128xf32, #tpu.memory_space<hbm>>) dst(%dma_wait3A_171 : memref<128x128xf32, #tpu.memory_space<vmem>>)
      %add3A_177 = arith.constant 6 : i32
      %add3A_178 = arith.addi %select_n3A_8, %add3A_177 : i32
      %mul3A_179 = arith.constant 128 : i32
      %mul3A_180 = arith.muli %add3A_178, %mul3A_179 : i32
      %multiple_of3A_181 = tpu.assume_multiple %mul3A_180, 128 : i32
      %run_scoped3A = arith.constant 2 : i32
      "tpu.region"() ({
        %run_scoped3A_182 = tpu.sem_alloc : memref<!tpu.dma_semaphore, #tpu.memory_space<semaphore_mem>>
        %dma_start3A = arith.constant 0 : i32
        %dma_start3A_183 = arith.constant 0 : i32
        %dma_start3A_184 = tpu.memref_slice %arg6[%run_scoped3A, %dma_start3A, %dma_start3A_183] : memref<4x128x128xf32, #tpu.memory_space<vmem>> -> memref<1x128x128xf32, #tpu.memory_space<vmem>>
        %dma_start3A_185 = tpu.memref_squeeze %dma_start3A_184 : memref<1x128x128xf32, #tpu.memory_space<vmem>> -> memref<128x128xf32, #tpu.memory_space<vmem>>
        %dma_start3A_186 = arith.constant 0 : i32
        %dma_start3A_187 = tpu.memref_slice %arg4[%multiple_of3A_181, %dma_start3A_186] : memref<51200x128xf32, #tpu.memory_space<hbm>> -> memref<128x128xf32, #tpu.memory_space<hbm>>
        %dma_start3A_188 = arith.constant 0 : i32
        %dma_start3A_189 = tpu.memref_slice %arg4[%multiple_of3A_181, %dma_start3A_188] : memref<51200x128xf32, #tpu.memory_space<hbm>> -> memref<128x128xf32, #tpu.memory_space<hbm>>
        %dma_start3A_190 = arith.constant 0 : i32
        %dma_start3A_191 = arith.constant 0 : i32
        %dma_start3A_192 = tpu.memref_slice %arg6[%run_scoped3A, %dma_start3A_190, %dma_start3A_191] : memref<4x128x128xf32, #tpu.memory_space<vmem>> -> memref<1x128x128xf32, #tpu.memory_space<vmem>>
        %dma_start3A_193 = tpu.memref_squeeze %dma_start3A_192 : memref<1x128x128xf32, #tpu.memory_space<vmem>> -> memref<128x128xf32, #tpu.memory_space<vmem>>
        tpu.enqueue_dma source(%dma_start3A_193 : memref<128x128xf32, #tpu.memory_space<vmem>>) target(%dma_start3A_189 : memref<128x128xf32, #tpu.memory_space<hbm>>) target_semaphore(%run_scoped3A_182 : memref<!tpu.dma_semaphore, #tpu.memory_space<semaphore_mem>>)
        %dma_wait3A_194 = arith.constant 0 : i32
        %dma_wait3A_195 = arith.constant 0 : i32
        %dma_wait3A_196 = tpu.memref_slice %arg6[%run_scoped3A, %dma_wait3A_194, %dma_wait3A_195] : memref<4x128x128xf32, #tpu.memory_space<vmem>> -> memref<1x128x128xf32, #tpu.memory_space<vmem>>
        %dma_wait3A_197 = tpu.memref_squeeze %dma_wait3A_196 : memref<1x128x128xf32, #tpu.memory_space<vmem>> -> memref<128x128xf32, #tpu.memory_space<vmem>>
        %dma_wait3A_198 = arith.constant 0 : i32
        %dma_wait3A_199 = tpu.memref_slice %arg4[%multiple_of3A_181, %dma_wait3A_198] : memref<51200x128xf32, #tpu.memory_space<hbm>> -> memref<128x128xf32, #tpu.memory_space<hbm>>
        %dma_wait3A_200 = arith.constant 0 : i32
        %dma_wait3A_201 = tpu.memref_slice %arg4[%multiple_of3A_181, %dma_wait3A_200] : memref<51200x128xf32, #tpu.memory_space<hbm>> -> memref<128x128xf32, #tpu.memory_space<hbm>>
        %dma_wait3A_202 = arith.constant 0 : i32
        %dma_wait3A_203 = arith.constant 0 : i32
        %dma_wait3A_204 = tpu.memref_slice %arg6[%run_scoped3A, %dma_wait3A_202, %dma_wait3A_203] : memref<4x128x128xf32, #tpu.memory_space<vmem>> -> memref<1x128x128xf32, #tpu.memory_space<vmem>>
        %dma_wait3A_205 = tpu.memref_squeeze %dma_wait3A_204 : memref<1x128x128xf32, #tpu.memory_space<vmem>> -> memref<128x128xf32, #tpu.memory_space<vmem>>
        tpu.wait_dma2 semaphore(%run_scoped3A_182 : memref<!tpu.dma_semaphore, #tpu.memory_space<semaphore_mem>>) src(%dma_wait3A_205 : memref<128x128xf32, #tpu.memory_space<vmem>>) dst(%dma_wait3A_201 : memref<128x128xf32, #tpu.memory_space<hbm>>)
        tpu.yield
      }) : () -> ()
    } else {
    }
    %gt3A_93 = arith.constant 10 : i32
    %gt3A_94 = arith.cmpi sgt, %select_n3A, %gt3A_93 : i32
    %convert_element_type3A_95 = arith.extui %gt3A_94 : i1 to i32
    %cond3A_96 = arith.constant 0 : i32
    %cond3A_97 = arith.cmpi ne, %convert_element_type3A_95, %cond3A_96 : i32
    scf.if %cond3A_97 {
      %dma_start3A = arith.constant 2 : i32
      %dma_start3A_168 = arith.constant 0 : i32
      %dma_start3A_169 = arith.constant 0 : i32
      %dma_start3A_170 = tpu.memref_slice %arg6[%dma_start3A, %dma_start3A_168, %dma_start3A_169] : memref<4x128x128xf32, #tpu.memory_space<vmem>> -> memref<1x128x128xf32, #tpu.memory_space<vmem>>
      %dma_start3A_171 = tpu.memref_squeeze %dma_start3A_170 : memref<1x128x128xf32, #tpu.memory_space<vmem>> -> memref<128x128xf32, #tpu.memory_space<vmem>>
      %dma_start3A_172 = arith.constant 1280 : i32
      %dma_start3A_173 = tpu.memref_slice %arg5[%dma_start3A_172] : memref<2048xi32, #tpu.memory_space<vmem>> -> memref<128xi32, #tpu.memory_space<vmem>>
      %dma_start3A_174 = arith.constant 0 : i32
      %dma_start3A_175 = arith.constant 0 : i32
      %dma_start3A_176 = tpu.memref_slice %arg3[%dma_start3A_174, %dma_start3A_175] : memref<100000x128xf32, #tpu.memory_space<hbm>> -> memref<100000x128xf32, #tpu.memory_space<hbm>>
      tpu.enqueue_indirect_dma source(%dma_start3A_176 : memref<100000x128xf32, #tpu.memory_space<hbm>>) target(%dma_start3A_171 : memref<128x128xf32, #tpu.memory_space<vmem>>) offsets(%dma_start3A_173 : memref<128xi32, #tpu.memory_space<vmem>>) semaphore(%arg7 : memref<!tpu.dma_semaphore, #tpu.memory_space<semaphore_mem>>)
    } else {
    }
    %gt3A_98 = arith.constant 7 : i32
    %gt3A_99 = arith.cmpi sgt, %select_n3A, %gt3A_98 : i32
    %convert_element_type3A_100 = arith.extui %gt3A_99 : i1 to i32
    %cond3A_101 = arith.constant 0 : i32
    %cond3A_102 = arith.cmpi ne, %convert_element_type3A_100, %cond3A_101 : i32
    scf.if %cond3A_102 {
      %dma_wait3A = arith.constant 3 : i32
      %dma_wait3A_168 = arith.constant 0 : i32
      %dma_wait3A_169 = arith.constant 0 : i32
      %dma_wait3A_170 = tpu.memref_slice %arg6[%dma_wait3A, %dma_wait3A_168, %dma_wait3A_169] : memref<4x128x128xf32, #tpu.memory_space<vmem>> -> memref<1x128x128xf32, #tpu.memory_space<vmem>>
      %dma_wait3A_171 = tpu.memref_squeeze %dma_wait3A_170 : memref<1x128x128xf32, #tpu.memory_space<vmem>> -> memref<128x128xf32, #tpu.memory_space<vmem>>
      %dma_wait3A_172 = arith.constant 896 : i32
      %dma_wait3A_173 = tpu.memref_slice %arg5[%dma_wait3A_172] : memref<2048xi32, #tpu.memory_space<vmem>> -> memref<128xi32, #tpu.memory_space<vmem>>
      %dma_wait3A_174 = arith.constant 0 : i32
      %dma_wait3A_175 = arith.constant 0 : i32
      %dma_wait3A_176 = tpu.memref_slice %arg3[%dma_wait3A_174, %dma_wait3A_175] : memref<100000x128xf32, #tpu.memory_space<hbm>> -> memref<100000x128xf32, #tpu.memory_space<hbm>>
      tpu.wait_indirect_dma semaphore(%arg7 : memref<!tpu.dma_semaphore, #tpu.memory_space<semaphore_mem>>) src(%dma_wait3A_176 : memref<100000x128xf32, #tpu.memory_space<hbm>>) dst(%dma_wait3A_171 : memref<128x128xf32, #tpu.memory_space<vmem>>)
      %add3A_177 = arith.constant 7 : i32
      %add3A_178 = arith.addi %select_n3A_8, %add3A_177 : i32
      %mul3A_179 = arith.constant 128 : i32
      %mul3A_180 = arith.muli %add3A_178, %mul3A_179 : i32
      %multiple_of3A_181 = tpu.assume_multiple %mul3A_180, 128 : i32
      %run_scoped3A = arith.constant 3 : i32
      "tpu.region"() ({
        %run_scoped3A_182 = tpu.sem_alloc : memref<!tpu.dma_semaphore, #tpu.memory_space<semaphore_mem>>
        %dma_start3A = arith.constant 0 : i32
        %dma_start3A_183 = arith.constant 0 : i32
        %dma_start3A_184 = tpu.memref_slice %arg6[%run_scoped3A, %dma_start3A, %dma_start3A_183] : memref<4x128x128xf32, #tpu.memory_space<vmem>> -> memref<1x128x128xf32, #tpu.memory_space<vmem>>
        %dma_start3A_185 = tpu.memref_squeeze %dma_start3A_184 : memref<1x128x128xf32, #tpu.memory_space<vmem>> -> memref<128x128xf32, #tpu.memory_space<vmem>>
        %dma_start3A_186 = arith.constant 0 : i32
        %dma_start3A_187 = tpu.memref_slice %arg4[%multiple_of3A_181, %dma_start3A_186] : memref<51200x128xf32, #tpu.memory_space<hbm>> -> memref<128x128xf32, #tpu.memory_space<hbm>>
        %dma_start3A_188 = arith.constant 0 : i32
        %dma_start3A_189 = tpu.memref_slice %arg4[%multiple_of3A_181, %dma_start3A_188] : memref<51200x128xf32, #tpu.memory_space<hbm>> -> memref<128x128xf32, #tpu.memory_space<hbm>>
        %dma_start3A_190 = arith.constant 0 : i32
        %dma_start3A_191 = arith.constant 0 : i32
        %dma_start3A_192 = tpu.memref_slice %arg6[%run_scoped3A, %dma_start3A_190, %dma_start3A_191] : memref<4x128x128xf32, #tpu.memory_space<vmem>> -> memref<1x128x128xf32, #tpu.memory_space<vmem>>
        %dma_start3A_193 = tpu.memref_squeeze %dma_start3A_192 : memref<1x128x128xf32, #tpu.memory_space<vmem>> -> memref<128x128xf32, #tpu.memory_space<vmem>>
        tpu.enqueue_dma source(%dma_start3A_193 : memref<128x128xf32, #tpu.memory_space<vmem>>) target(%dma_start3A_189 : memref<128x128xf32, #tpu.memory_space<hbm>>) target_semaphore(%run_scoped3A_182 : memref<!tpu.dma_semaphore, #tpu.memory_space<semaphore_mem>>)
        %dma_wait3A_194 = arith.constant 0 : i32
        %dma_wait3A_195 = arith.constant 0 : i32
        %dma_wait3A_196 = tpu.memref_slice %arg6[%run_scoped3A, %dma_wait3A_194, %dma_wait3A_195] : memref<4x128x128xf32, #tpu.memory_space<vmem>> -> memref<1x128x128xf32, #tpu.memory_space<vmem>>
        %dma_wait3A_197 = tpu.memref_squeeze %dma_wait3A_196 : memref<1x128x128xf32, #tpu.memory_space<vmem>> -> memref<128x128xf32, #tpu.memory_space<vmem>>
        %dma_wait3A_198 = arith.constant 0 : i32
        %dma_wait3A_199 = tpu.memref_slice %arg4[%multiple_of3A_181, %dma_wait3A_198] : memref<51200x128xf32, #tpu.memory_space<hbm>> -> memref<128x128xf32, #tpu.memory_space<hbm>>
        %dma_wait3A_200 = arith.constant 0 : i32
        %dma_wait3A_201 = tpu.memref_slice %arg4[%multiple_of3A_181, %dma_wait3A_200] : memref<51200x128xf32, #tpu.memory_space<hbm>> -> memref<128x128xf32, #tpu.memory_space<hbm>>
        %dma_wait3A_202 = arith.constant 0 : i32
        %dma_wait3A_203 = arith.constant 0 : i32
        %dma_wait3A_204 = tpu.memref_slice %arg6[%run_scoped3A, %dma_wait3A_202, %dma_wait3A_203] : memref<4x128x128xf32, #tpu.memory_space<vmem>> -> memref<1x128x128xf32, #tpu.memory_space<vmem>>
        %dma_wait3A_205 = tpu.memref_squeeze %dma_wait3A_204 : memref<1x128x128xf32, #tpu.memory_space<vmem>> -> memref<128x128xf32, #tpu.memory_space<vmem>>
        tpu.wait_dma2 semaphore(%run_scoped3A_182 : memref<!tpu.dma_semaphore, #tpu.memory_space<semaphore_mem>>) src(%dma_wait3A_205 : memref<128x128xf32, #tpu.memory_space<vmem>>) dst(%dma_wait3A_201 : memref<128x128xf32, #tpu.memory_space<hbm>>)
        tpu.yield
      }) : () -> ()
    } else {
    }
    %gt3A_103 = arith.constant 11 : i32
    %gt3A_104 = arith.cmpi sgt, %select_n3A, %gt3A_103 : i32
    %convert_element_type3A_105 = arith.extui %gt3A_104 : i1 to i32
    %cond3A_106 = arith.constant 0 : i32
    %cond3A_107 = arith.cmpi ne, %convert_element_type3A_105, %cond3A_106 : i32
    scf.if %cond3A_107 {
      %dma_start3A = arith.constant 3 : i32
      %dma_start3A_168 = arith.constant 0 : i32
      %dma_start3A_169 = arith.constant 0 : i32
      %dma_start3A_170 = tpu.memref_slice %arg6[%dma_start3A, %dma_start3A_168, %dma_start3A_169] : memref<4x128x128xf32, #tpu.memory_space<vmem>> -> memref<1x128x128xf32, #tpu.memory_space<vmem>>
      %dma_start3A_171 = tpu.memref_squeeze %dma_start3A_170 : memref<1x128x128xf32, #tpu.memory_space<vmem>> -> memref<128x128xf32, #tpu.memory_space<vmem>>
      %dma_start3A_172 = arith.constant 1408 : i32
      %dma_start3A_173 = tpu.memref_slice %arg5[%dma_start3A_172] : memref<2048xi32, #tpu.memory_space<vmem>> -> memref<128xi32, #tpu.memory_space<vmem>>
      %dma_start3A_174 = arith.constant 0 : i32
      %dma_start3A_175 = arith.constant 0 : i32
      %dma_start3A_176 = tpu.memref_slice %arg3[%dma_start3A_174, %dma_start3A_175] : memref<100000x128xf32, #tpu.memory_space<hbm>> -> memref<100000x128xf32, #tpu.memory_space<hbm>>
      tpu.enqueue_indirect_dma source(%dma_start3A_176 : memref<100000x128xf32, #tpu.memory_space<hbm>>) target(%dma_start3A_171 : memref<128x128xf32, #tpu.memory_space<vmem>>) offsets(%dma_start3A_173 : memref<128xi32, #tpu.memory_space<vmem>>) semaphore(%arg7 : memref<!tpu.dma_semaphore, #tpu.memory_space<semaphore_mem>>)
    } else {
    }
    %gt3A_108 = arith.constant 8 : i32
    %gt3A_109 = arith.cmpi sgt, %select_n3A, %gt3A_108 : i32
    %convert_element_type3A_110 = arith.extui %gt3A_109 : i1 to i32
    %cond3A_111 = arith.constant 0 : i32
    %cond3A_112 = arith.cmpi ne, %convert_element_type3A_110, %cond3A_111 : i32
    scf.if %cond3A_112 {
      %dma_wait3A = arith.constant 0 : i32
      %dma_wait3A_168 = arith.constant 0 : i32
      %dma_wait3A_169 = arith.constant 0 : i32
      %dma_wait3A_170 = tpu.memref_slice %arg6[%dma_wait3A, %dma_wait3A_168, %dma_wait3A_169] : memref<4x128x128xf32, #tpu.memory_space<vmem>> -> memref<1x128x128xf32, #tpu.memory_space<vmem>>
      %dma_wait3A_171 = tpu.memref_squeeze %dma_wait3A_170 : memref<1x128x128xf32, #tpu.memory_space<vmem>> -> memref<128x128xf32, #tpu.memory_space<vmem>>
      %dma_wait3A_172 = arith.constant 1024 : i32
      %dma_wait3A_173 = tpu.memref_slice %arg5[%dma_wait3A_172] : memref<2048xi32, #tpu.memory_space<vmem>> -> memref<128xi32, #tpu.memory_space<vmem>>
      %dma_wait3A_174 = arith.constant 0 : i32
      %dma_wait3A_175 = arith.constant 0 : i32
      %dma_wait3A_176 = tpu.memref_slice %arg3[%dma_wait3A_174, %dma_wait3A_175] : memref<100000x128xf32, #tpu.memory_space<hbm>> -> memref<100000x128xf32, #tpu.memory_space<hbm>>
      tpu.wait_indirect_dma semaphore(%arg7 : memref<!tpu.dma_semaphore, #tpu.memory_space<semaphore_mem>>) src(%dma_wait3A_176 : memref<100000x128xf32, #tpu.memory_space<hbm>>) dst(%dma_wait3A_171 : memref<128x128xf32, #tpu.memory_space<vmem>>)
      %add3A_177 = arith.constant 8 : i32
      %add3A_178 = arith.addi %select_n3A_8, %add3A_177 : i32
      %mul3A_179 = arith.constant 128 : i32
      %mul3A_180 = arith.muli %add3A_178, %mul3A_179 : i32
      %multiple_of3A_181 = tpu.assume_multiple %mul3A_180, 128 : i32
      %run_scoped3A = arith.constant 0 : i32
      "tpu.region"() ({
        %run_scoped3A_182 = tpu.sem_alloc : memref<!tpu.dma_semaphore, #tpu.memory_space<semaphore_mem>>
        %dma_start3A = arith.constant 0 : i32
        %dma_start3A_183 = arith.constant 0 : i32
        %dma_start3A_184 = tpu.memref_slice %arg6[%run_scoped3A, %dma_start3A, %dma_start3A_183] : memref<4x128x128xf32, #tpu.memory_space<vmem>> -> memref<1x128x128xf32, #tpu.memory_space<vmem>>
        %dma_start3A_185 = tpu.memref_squeeze %dma_start3A_184 : memref<1x128x128xf32, #tpu.memory_space<vmem>> -> memref<128x128xf32, #tpu.memory_space<vmem>>
        %dma_start3A_186 = arith.constant 0 : i32
        %dma_start3A_187 = tpu.memref_slice %arg4[%multiple_of3A_181, %dma_start3A_186] : memref<51200x128xf32, #tpu.memory_space<hbm>> -> memref<128x128xf32, #tpu.memory_space<hbm>>
        %dma_start3A_188 = arith.constant 0 : i32
        %dma_start3A_189 = tpu.memref_slice %arg4[%multiple_of3A_181, %dma_start3A_188] : memref<51200x128xf32, #tpu.memory_space<hbm>> -> memref<128x128xf32, #tpu.memory_space<hbm>>
        %dma_start3A_190 = arith.constant 0 : i32
        %dma_start3A_191 = arith.constant 0 : i32
        %dma_start3A_192 = tpu.memref_slice %arg6[%run_scoped3A, %dma_start3A_190, %dma_start3A_191] : memref<4x128x128xf32, #tpu.memory_space<vmem>> -> memref<1x128x128xf32, #tpu.memory_space<vmem>>
        %dma_start3A_193 = tpu.memref_squeeze %dma_start3A_192 : memref<1x128x128xf32, #tpu.memory_space<vmem>> -> memref<128x128xf32, #tpu.memory_space<vmem>>
        tpu.enqueue_dma source(%dma_start3A_193 : memref<128x128xf32, #tpu.memory_space<vmem>>) target(%dma_start3A_189 : memref<128x128xf32, #tpu.memory_space<hbm>>) target_semaphore(%run_scoped3A_182 : memref<!tpu.dma_semaphore, #tpu.memory_space<semaphore_mem>>)
        %dma_wait3A_194 = arith.constant 0 : i32
        %dma_wait3A_195 = arith.constant 0 : i32
        %dma_wait3A_196 = tpu.memref_slice %arg6[%run_scoped3A, %dma_wait3A_194, %dma_wait3A_195] : memref<4x128x128xf32, #tpu.memory_space<vmem>> -> memref<1x128x128xf32, #tpu.memory_space<vmem>>
        %dma_wait3A_197 = tpu.memref_squeeze %dma_wait3A_196 : memref<1x128x128xf32, #tpu.memory_space<vmem>> -> memref<128x128xf32, #tpu.memory_space<vmem>>
        %dma_wait3A_198 = arith.constant 0 : i32
        %dma_wait3A_199 = tpu.memref_slice %arg4[%multiple_of3A_181, %dma_wait3A_198] : memref<51200x128xf32, #tpu.memory_space<hbm>> -> memref<128x128xf32, #tpu.memory_space<hbm>>
        %dma_wait3A_200 = arith.constant 0 : i32
        %dma_wait3A_201 = tpu.memref_slice %arg4[%multiple_of3A_181, %dma_wait3A_200] : memref<51200x128xf32, #tpu.memory_space<hbm>> -> memref<128x128xf32, #tpu.memory_space<hbm>>
        %dma_wait3A_202 = arith.constant 0 : i32
        %dma_wait3A_203 = arith.constant 0 : i32
        %dma_wait3A_204 = tpu.memref_slice %arg6[%run_scoped3A, %dma_wait3A_202, %dma_wait3A_203] : memref<4x128x128xf32, #tpu.memory_space<vmem>> -> memref<1x128x128xf32, #tpu.memory_space<vmem>>
        %dma_wait3A_205 = tpu.memref_squeeze %dma_wait3A_204 : memref<1x128x128xf32, #tpu.memory_space<vmem>> -> memref<128x128xf32, #tpu.memory_space<vmem>>
        tpu.wait_dma2 semaphore(%run_scoped3A_182 : memref<!tpu.dma_semaphore, #tpu.memory_space<semaphore_mem>>) src(%dma_wait3A_205 : memref<128x128xf32, #tpu.memory_space<vmem>>) dst(%dma_wait3A_201 : memref<128x128xf32, #tpu.memory_space<hbm>>)
        tpu.yield
      }) : () -> ()
    } else {
    }
    %gt3A_113 = arith.constant 12 : i32
    %gt3A_114 = arith.cmpi sgt, %select_n3A, %gt3A_113 : i32
    %convert_element_type3A_115 = arith.extui %gt3A_114 : i1 to i32
    %cond3A_116 = arith.constant 0 : i32
    %cond3A_117 = arith.cmpi ne, %convert_element_type3A_115, %cond3A_116 : i32
    scf.if %cond3A_117 {
      %dma_start3A = arith.constant 0 : i32
      %dma_start3A_168 = arith.constant 0 : i32
      %dma_start3A_169 = arith.constant 0 : i32
      %dma_start3A_170 = tpu.memref_slice %arg6[%dma_start3A, %dma_start3A_168, %dma_start3A_169] : memref<4x128x128xf32, #tpu.memory_space<vmem>> -> memref<1x128x128xf32, #tpu.memory_space<vmem>>
      %dma_start3A_171 = tpu.memref_squeeze %dma_start3A_170 : memref<1x128x128xf32, #tpu.memory_space<vmem>> -> memref<128x128xf32, #tpu.memory_space<vmem>>
      %dma_start3A_172 = arith.constant 1536 : i32
      %dma_start3A_173 = tpu.memref_slice %arg5[%dma_start3A_172] : memref<2048xi32, #tpu.memory_space<vmem>> -> memref<128xi32, #tpu.memory_space<vmem>>
      %dma_start3A_174 = arith.constant 0 : i32
      %dma_start3A_175 = arith.constant 0 : i32
      %dma_start3A_176 = tpu.memref_slice %arg3[%dma_start3A_174, %dma_start3A_175] : memref<100000x128xf32, #tpu.memory_space<hbm>> -> memref<100000x128xf32, #tpu.memory_space<hbm>>
      tpu.enqueue_indirect_dma source(%dma_start3A_176 : memref<100000x128xf32, #tpu.memory_space<hbm>>) target(%dma_start3A_171 : memref<128x128xf32, #tpu.memory_space<vmem>>) offsets(%dma_start3A_173 : memref<128xi32, #tpu.memory_space<vmem>>) semaphore(%arg7 : memref<!tpu.dma_semaphore, #tpu.memory_space<semaphore_mem>>)
    } else {
    }
    %gt3A_118 = arith.constant 9 : i32
    %gt3A_119 = arith.cmpi sgt, %select_n3A, %gt3A_118 : i32
    %convert_element_type3A_120 = arith.extui %gt3A_119 : i1 to i32
    %cond3A_121 = arith.constant 0 : i32
    %cond3A_122 = arith.cmpi ne, %convert_element_type3A_120, %cond3A_121 : i32
    scf.if %cond3A_122 {
      %dma_wait3A = arith.constant 1 : i32
      %dma_wait3A_168 = arith.constant 0 : i32
      %dma_wait3A_169 = arith.constant 0 : i32
      %dma_wait3A_170 = tpu.memref_slice %arg6[%dma_wait3A, %dma_wait3A_168, %dma_wait3A_169] : memref<4x128x128xf32, #tpu.memory_space<vmem>> -> memref<1x128x128xf32, #tpu.memory_space<vmem>>
      %dma_wait3A_171 = tpu.memref_squeeze %dma_wait3A_170 : memref<1x128x128xf32, #tpu.memory_space<vmem>> -> memref<128x128xf32, #tpu.memory_space<vmem>>
      %dma_wait3A_172 = arith.constant 1152 : i32
      %dma_wait3A_173 = tpu.memref_slice %arg5[%dma_wait3A_172] : memref<2048xi32, #tpu.memory_space<vmem>> -> memref<128xi32, #tpu.memory_space<vmem>>
      %dma_wait3A_174 = arith.constant 0 : i32
      %dma_wait3A_175 = arith.constant 0 : i32
      %dma_wait3A_176 = tpu.memref_slice %arg3[%dma_wait3A_174, %dma_wait3A_175] : memref<100000x128xf32, #tpu.memory_space<hbm>> -> memref<100000x128xf32, #tpu.memory_space<hbm>>
      tpu.wait_indirect_dma semaphore(%arg7 : memref<!tpu.dma_semaphore, #tpu.memory_space<semaphore_mem>>) src(%dma_wait3A_176 : memref<100000x128xf32, #tpu.memory_space<hbm>>) dst(%dma_wait3A_171 : memref<128x128xf32, #tpu.memory_space<vmem>>)
      %add3A_177 = arith.constant 9 : i32
      %add3A_178 = arith.addi %select_n3A_8, %add3A_177 : i32
      %mul3A_179 = arith.constant 128 : i32
      %mul3A_180 = arith.muli %add3A_178, %mul3A_179 : i32
      %multiple_of3A_181 = tpu.assume_multiple %mul3A_180, 128 : i32
      %run_scoped3A = arith.constant 1 : i32
      "tpu.region"() ({
        %run_scoped3A_182 = tpu.sem_alloc : memref<!tpu.dma_semaphore, #tpu.memory_space<semaphore_mem>>
        %dma_start3A = arith.constant 0 : i32
        %dma_start3A_183 = arith.constant 0 : i32
        %dma_start3A_184 = tpu.memref_slice %arg6[%run_scoped3A, %dma_start3A, %dma_start3A_183] : memref<4x128x128xf32, #tpu.memory_space<vmem>> -> memref<1x128x128xf32, #tpu.memory_space<vmem>>
        %dma_start3A_185 = tpu.memref_squeeze %dma_start3A_184 : memref<1x128x128xf32, #tpu.memory_space<vmem>> -> memref<128x128xf32, #tpu.memory_space<vmem>>
        %dma_start3A_186 = arith.constant 0 : i32
        %dma_start3A_187 = tpu.memref_slice %arg4[%multiple_of3A_181, %dma_start3A_186] : memref<51200x128xf32, #tpu.memory_space<hbm>> -> memref<128x128xf32, #tpu.memory_space<hbm>>
        %dma_start3A_188 = arith.constant 0 : i32
        %dma_start3A_189 = tpu.memref_slice %arg4[%multiple_of3A_181, %dma_start3A_188] : memref<51200x128xf32, #tpu.memory_space<hbm>> -> memref<128x128xf32, #tpu.memory_space<hbm>>
        %dma_start3A_190 = arith.constant 0 : i32
        %dma_start3A_191 = arith.constant 0 : i32
        %dma_start3A_192 = tpu.memref_slice %arg6[%run_scoped3A, %dma_start3A_190, %dma_start3A_191] : memref<4x128x128xf32, #tpu.memory_space<vmem>> -> memref<1x128x128xf32, #tpu.memory_space<vmem>>
        %dma_start3A_193 = tpu.memref_squeeze %dma_start3A_192 : memref<1x128x128xf32, #tpu.memory_space<vmem>> -> memref<128x128xf32, #tpu.memory_space<vmem>>
        tpu.enqueue_dma source(%dma_start3A_193 : memref<128x128xf32, #tpu.memory_space<vmem>>) target(%dma_start3A_189 : memref<128x128xf32, #tpu.memory_space<hbm>>) target_semaphore(%run_scoped3A_182 : memref<!tpu.dma_semaphore, #tpu.memory_space<semaphore_mem>>)
        %dma_wait3A_194 = arith.constant 0 : i32
        %dma_wait3A_195 = arith.constant 0 : i32
        %dma_wait3A_196 = tpu.memref_slice %arg6[%run_scoped3A, %dma_wait3A_194, %dma_wait3A_195] : memref<4x128x128xf32, #tpu.memory_space<vmem>> -> memref<1x128x128xf32, #tpu.memory_space<vmem>>
        %dma_wait3A_197 = tpu.memref_squeeze %dma_wait3A_196 : memref<1x128x128xf32, #tpu.memory_space<vmem>> -> memref<128x128xf32, #tpu.memory_space<vmem>>
        %dma_wait3A_198 = arith.constant 0 : i32
        %dma_wait3A_199 = tpu.memref_slice %arg4[%multiple_of3A_181, %dma_wait3A_198] : memref<51200x128xf32, #tpu.memory_space<hbm>> -> memref<128x128xf32, #tpu.memory_space<hbm>>
        %dma_wait3A_200 = arith.constant 0 : i32
        %dma_wait3A_201 = tpu.memref_slice %arg4[%multiple_of3A_181, %dma_wait3A_200] : memref<51200x128xf32, #tpu.memory_space<hbm>> -> memref<128x128xf32, #tpu.memory_space<hbm>>
        %dma_wait3A_202 = arith.constant 0 : i32
        %dma_wait3A_203 = arith.constant 0 : i32
        %dma_wait3A_204 = tpu.memref_slice %arg6[%run_scoped3A, %dma_wait3A_202, %dma_wait3A_203] : memref<4x128x128xf32, #tpu.memory_space<vmem>> -> memref<1x128x128xf32, #tpu.memory_space<vmem>>
        %dma_wait3A_205 = tpu.memref_squeeze %dma_wait3A_204 : memref<1x128x128xf32, #tpu.memory_space<vmem>> -> memref<128x128xf32, #tpu.memory_space<vmem>>
        tpu.wait_dma2 semaphore(%run_scoped3A_182 : memref<!tpu.dma_semaphore, #tpu.memory_space<semaphore_mem>>) src(%dma_wait3A_205 : memref<128x128xf32, #tpu.memory_space<vmem>>) dst(%dma_wait3A_201 : memref<128x128xf32, #tpu.memory_space<hbm>>)
        tpu.yield
      }) : () -> ()
    } else {
    }
    %gt3A_123 = arith.constant 13 : i32
    %gt3A_124 = arith.cmpi sgt, %select_n3A, %gt3A_123 : i32
    %convert_element_type3A_125 = arith.extui %gt3A_124 : i1 to i32
    %cond3A_126 = arith.constant 0 : i32
    %cond3A_127 = arith.cmpi ne, %convert_element_type3A_125, %cond3A_126 : i32
    scf.if %cond3A_127 {
      %dma_start3A = arith.constant 1 : i32
      %dma_start3A_168 = arith.constant 0 : i32
      %dma_start3A_169 = arith.constant 0 : i32
      %dma_start3A_170 = tpu.memref_slice %arg6[%dma_start3A, %dma_start3A_168, %dma_start3A_169] : memref<4x128x128xf32, #tpu.memory_space<vmem>> -> memref<1x128x128xf32, #tpu.memory_space<vmem>>
      %dma_start3A_171 = tpu.memref_squeeze %dma_start3A_170 : memref<1x128x128xf32, #tpu.memory_space<vmem>> -> memref<128x128xf32, #tpu.memory_space<vmem>>
      %dma_start3A_172 = arith.constant 1664 : i32
      %dma_start3A_173 = tpu.memref_slice %arg5[%dma_start3A_172] : memref<2048xi32, #tpu.memory_space<vmem>> -> memref<128xi32, #tpu.memory_space<vmem>>
      %dma_start3A_174 = arith.constant 0 : i32
      %dma_start3A_175 = arith.constant 0 : i32
      %dma_start3A_176 = tpu.memref_slice %arg3[%dma_start3A_174, %dma_start3A_175] : memref<100000x128xf32, #tpu.memory_space<hbm>> -> memref<100000x128xf32, #tpu.memory_space<hbm>>
      tpu.enqueue_indirect_dma source(%dma_start3A_176 : memref<100000x128xf32, #tpu.memory_space<hbm>>) target(%dma_start3A_171 : memref<128x128xf32, #tpu.memory_space<vmem>>) offsets(%dma_start3A_173 : memref<128xi32, #tpu.memory_space<vmem>>) semaphore(%arg7 : memref<!tpu.dma_semaphore, #tpu.memory_space<semaphore_mem>>)
    } else {
    }
    %gt3A_128 = arith.constant 10 : i32
    %gt3A_129 = arith.cmpi sgt, %select_n3A, %gt3A_128 : i32
    %convert_element_type3A_130 = arith.extui %gt3A_129 : i1 to i32
    %cond3A_131 = arith.constant 0 : i32
    %cond3A_132 = arith.cmpi ne, %convert_element_type3A_130, %cond3A_131 : i32
    scf.if %cond3A_132 {
      %dma_wait3A = arith.constant 2 : i32
      %dma_wait3A_168 = arith.constant 0 : i32
      %dma_wait3A_169 = arith.constant 0 : i32
      %dma_wait3A_170 = tpu.memref_slice %arg6[%dma_wait3A, %dma_wait3A_168, %dma_wait3A_169] : memref<4x128x128xf32, #tpu.memory_space<vmem>> -> memref<1x128x128xf32, #tpu.memory_space<vmem>>
      %dma_wait3A_171 = tpu.memref_squeeze %dma_wait3A_170 : memref<1x128x128xf32, #tpu.memory_space<vmem>> -> memref<128x128xf32, #tpu.memory_space<vmem>>
      %dma_wait3A_172 = arith.constant 1280 : i32
      %dma_wait3A_173 = tpu.memref_slice %arg5[%dma_wait3A_172] : memref<2048xi32, #tpu.memory_space<vmem>> -> memref<128xi32, #tpu.memory_space<vmem>>
      %dma_wait3A_174 = arith.constant 0 : i32
      %dma_wait3A_175 = arith.constant 0 : i32
      %dma_wait3A_176 = tpu.memref_slice %arg3[%dma_wait3A_174, %dma_wait3A_175] : memref<100000x128xf32, #tpu.memory_space<hbm>> -> memref<100000x128xf32, #tpu.memory_space<hbm>>
      tpu.wait_indirect_dma semaphore(%arg7 : memref<!tpu.dma_semaphore, #tpu.memory_space<semaphore_mem>>) src(%dma_wait3A_176 : memref<100000x128xf32, #tpu.memory_space<hbm>>) dst(%dma_wait3A_171 : memref<128x128xf32, #tpu.memory_space<vmem>>)
      %add3A_177 = arith.constant 10 : i32
      %add3A_178 = arith.addi %select_n3A_8, %add3A_177 : i32
      %mul3A_179 = arith.constant 128 : i32
      %mul3A_180 = arith.muli %add3A_178, %mul3A_179 : i32
      %multiple_of3A_181 = tpu.assume_multiple %mul3A_180, 128 : i32
      %run_scoped3A = arith.constant 2 : i32
      "tpu.region"() ({
        %run_scoped3A_182 = tpu.sem_alloc : memref<!tpu.dma_semaphore, #tpu.memory_space<semaphore_mem>>
        %dma_start3A = arith.constant 0 : i32
        %dma_start3A_183 = arith.constant 0 : i32
        %dma_start3A_184 = tpu.memref_slice %arg6[%run_scoped3A, %dma_start3A, %dma_start3A_183] : memref<4x128x128xf32, #tpu.memory_space<vmem>> -> memref<1x128x128xf32, #tpu.memory_space<vmem>>
        %dma_start3A_185 = tpu.memref_squeeze %dma_start3A_184 : memref<1x128x128xf32, #tpu.memory_space<vmem>> -> memref<128x128xf32, #tpu.memory_space<vmem>>
        %dma_start3A_186 = arith.constant 0 : i32
        %dma_start3A_187 = tpu.memref_slice %arg4[%multiple_of3A_181, %dma_start3A_186] : memref<51200x128xf32, #tpu.memory_space<hbm>> -> memref<128x128xf32, #tpu.memory_space<hbm>>
        %dma_start3A_188 = arith.constant 0 : i32
        %dma_start3A_189 = tpu.memref_slice %arg4[%multiple_of3A_181, %dma_start3A_188] : memref<51200x128xf32, #tpu.memory_space<hbm>> -> memref<128x128xf32, #tpu.memory_space<hbm>>
        %dma_start3A_190 = arith.constant 0 : i32
        %dma_start3A_191 = arith.constant 0 : i32
        %dma_start3A_192 = tpu.memref_slice %arg6[%run_scoped3A, %dma_start3A_190, %dma_start3A_191] : memref<4x128x128xf32, #tpu.memory_space<vmem>> -> memref<1x128x128xf32, #tpu.memory_space<vmem>>
        %dma_start3A_193 = tpu.memref_squeeze %dma_start3A_192 : memref<1x128x128xf32, #tpu.memory_space<vmem>> -> memref<128x128xf32, #tpu.memory_space<vmem>>
        tpu.enqueue_dma source(%dma_start3A_193 : memref<128x128xf32, #tpu.memory_space<vmem>>) target(%dma_start3A_189 : memref<128x128xf32, #tpu.memory_space<hbm>>) target_semaphore(%run_scoped3A_182 : memref<!tpu.dma_semaphore, #tpu.memory_space<semaphore_mem>>)
        %dma_wait3A_194 = arith.constant 0 : i32
        %dma_wait3A_195 = arith.constant 0 : i32
        %dma_wait3A_196 = tpu.memref_slice %arg6[%run_scoped3A, %dma_wait3A_194, %dma_wait3A_195] : memref<4x128x128xf32, #tpu.memory_space<vmem>> -> memref<1x128x128xf32, #tpu.memory_space<vmem>>
        %dma_wait3A_197 = tpu.memref_squeeze %dma_wait3A_196 : memref<1x128x128xf32, #tpu.memory_space<vmem>> -> memref<128x128xf32, #tpu.memory_space<vmem>>
        %dma_wait3A_198 = arith.constant 0 : i32
        %dma_wait3A_199 = tpu.memref_slice %arg4[%multiple_of3A_181, %dma_wait3A_198] : memref<51200x128xf32, #tpu.memory_space<hbm>> -> memref<128x128xf32, #tpu.memory_space<hbm>>
        %dma_wait3A_200 = arith.constant 0 : i32
        %dma_wait3A_201 = tpu.memref_slice %arg4[%multiple_of3A_181, %dma_wait3A_200] : memref<51200x128xf32, #tpu.memory_space<hbm>> -> memref<128x128xf32, #tpu.memory_space<hbm>>
        %dma_wait3A_202 = arith.constant 0 : i32
        %dma_wait3A_203 = arith.constant 0 : i32
        %dma_wait3A_204 = tpu.memref_slice %arg6[%run_scoped3A, %dma_wait3A_202, %dma_wait3A_203] : memref<4x128x128xf32, #tpu.memory_space<vmem>> -> memref<1x128x128xf32, #tpu.memory_space<vmem>>
        %dma_wait3A_205 = tpu.memref_squeeze %dma_wait3A_204 : memref<1x128x128xf32, #tpu.memory_space<vmem>> -> memref<128x128xf32, #tpu.memory_space<vmem>>
        tpu.wait_dma2 semaphore(%run_scoped3A_182 : memref<!tpu.dma_semaphore, #tpu.memory_space<semaphore_mem>>) src(%dma_wait3A_205 : memref<128x128xf32, #tpu.memory_space<vmem>>) dst(%dma_wait3A_201 : memref<128x128xf32, #tpu.memory_space<hbm>>)
        tpu.yield
      }) : () -> ()
    } else {
    }
    %gt3A_133 = arith.constant 14 : i32
    %gt3A_134 = arith.cmpi sgt, %select_n3A, %gt3A_133 : i32
    %convert_element_type3A_135 = arith.extui %gt3A_134 : i1 to i32
    %cond3A_136 = arith.constant 0 : i32
    %cond3A_137 = arith.cmpi ne, %convert_element_type3A_135, %cond3A_136 : i32
    scf.if %cond3A_137 {
      %dma_start3A = arith.constant 2 : i32
      %dma_start3A_168 = arith.constant 0 : i32
      %dma_start3A_169 = arith.constant 0 : i32
      %dma_start3A_170 = tpu.memref_slice %arg6[%dma_start3A, %dma_start3A_168, %dma_start3A_169] : memref<4x128x128xf32, #tpu.memory_space<vmem>> -> memref<1x128x128xf32, #tpu.memory_space<vmem>>
      %dma_start3A_171 = tpu.memref_squeeze %dma_start3A_170 : memref<1x128x128xf32, #tpu.memory_space<vmem>> -> memref<128x128xf32, #tpu.memory_space<vmem>>
      %dma_start3A_172 = arith.constant 1792 : i32
      %dma_start3A_173 = tpu.memref_slice %arg5[%dma_start3A_172] : memref<2048xi32, #tpu.memory_space<vmem>> -> memref<128xi32, #tpu.memory_space<vmem>>
      %dma_start3A_174 = arith.constant 0 : i32
      %dma_start3A_175 = arith.constant 0 : i32
      %dma_start3A_176 = tpu.memref_slice %arg3[%dma_start3A_174, %dma_start3A_175] : memref<100000x128xf32, #tpu.memory_space<hbm>> -> memref<100000x128xf32, #tpu.memory_space<hbm>>
      tpu.enqueue_indirect_dma source(%dma_start3A_176 : memref<100000x128xf32, #tpu.memory_space<hbm>>) target(%dma_start3A_171 : memref<128x128xf32, #tpu.memory_space<vmem>>) offsets(%dma_start3A_173 : memref<128xi32, #tpu.memory_space<vmem>>) semaphore(%arg7 : memref<!tpu.dma_semaphore, #tpu.memory_space<semaphore_mem>>)
    } else {
    }
    %gt3A_138 = arith.constant 11 : i32
    %gt3A_139 = arith.cmpi sgt, %select_n3A, %gt3A_138 : i32
    %convert_element_type3A_140 = arith.extui %gt3A_139 : i1 to i32
    %cond3A_141 = arith.constant 0 : i32
    %cond3A_142 = arith.cmpi ne, %convert_element_type3A_140, %cond3A_141 : i32
    scf.if %cond3A_142 {
      %dma_wait3A = arith.constant 3 : i32
      %dma_wait3A_168 = arith.constant 0 : i32
      %dma_wait3A_169 = arith.constant 0 : i32
      %dma_wait3A_170 = tpu.memref_slice %arg6[%dma_wait3A, %dma_wait3A_168, %dma_wait3A_169] : memref<4x128x128xf32, #tpu.memory_space<vmem>> -> memref<1x128x128xf32, #tpu.memory_space<vmem>>
      %dma_wait3A_171 = tpu.memref_squeeze %dma_wait3A_170 : memref<1x128x128xf32, #tpu.memory_space<vmem>> -> memref<128x128xf32, #tpu.memory_space<vmem>>
      %dma_wait3A_172 = arith.constant 1408 : i32
      %dma_wait3A_173 = tpu.memref_slice %arg5[%dma_wait3A_172] : memref<2048xi32, #tpu.memory_space<vmem>> -> memref<128xi32, #tpu.memory_space<vmem>>
      %dma_wait3A_174 = arith.constant 0 : i32
      %dma_wait3A_175 = arith.constant 0 : i32
      %dma_wait3A_176 = tpu.memref_slice %arg3[%dma_wait3A_174, %dma_wait3A_175] : memref<100000x128xf32, #tpu.memory_space<hbm>> -> memref<100000x128xf32, #tpu.memory_space<hbm>>
      tpu.wait_indirect_dma semaphore(%arg7 : memref<!tpu.dma_semaphore, #tpu.memory_space<semaphore_mem>>) src(%dma_wait3A_176 : memref<100000x128xf32, #tpu.memory_space<hbm>>) dst(%dma_wait3A_171 : memref<128x128xf32, #tpu.memory_space<vmem>>)
      %add3A_177 = arith.constant 11 : i32
      %add3A_178 = arith.addi %select_n3A_8, %add3A_177 : i32
      %mul3A_179 = arith.constant 128 : i32
      %mul3A_180 = arith.muli %add3A_178, %mul3A_179 : i32
      %multiple_of3A_181 = tpu.assume_multiple %mul3A_180, 128 : i32
      %run_scoped3A = arith.constant 3 : i32
      "tpu.region"() ({
        %run_scoped3A_182 = tpu.sem_alloc : memref<!tpu.dma_semaphore, #tpu.memory_space<semaphore_mem>>
        %dma_start3A = arith.constant 0 : i32
        %dma_start3A_183 = arith.constant 0 : i32
        %dma_start3A_184 = tpu.memref_slice %arg6[%run_scoped3A, %dma_start3A, %dma_start3A_183] : memref<4x128x128xf32, #tpu.memory_space<vmem>> -> memref<1x128x128xf32, #tpu.memory_space<vmem>>
        %dma_start3A_185 = tpu.memref_squeeze %dma_start3A_184 : memref<1x128x128xf32, #tpu.memory_space<vmem>> -> memref<128x128xf32, #tpu.memory_space<vmem>>
        %dma_start3A_186 = arith.constant 0 : i32
        %dma_start3A_187 = tpu.memref_slice %arg4[%multiple_of3A_181, %dma_start3A_186] : memref<51200x128xf32, #tpu.memory_space<hbm>> -> memref<128x128xf32, #tpu.memory_space<hbm>>
        %dma_start3A_188 = arith.constant 0 : i32
        %dma_start3A_189 = tpu.memref_slice %arg4[%multiple_of3A_181, %dma_start3A_188] : memref<51200x128xf32, #tpu.memory_space<hbm>> -> memref<128x128xf32, #tpu.memory_space<hbm>>
        %dma_start3A_190 = arith.constant 0 : i32
        %dma_start3A_191 = arith.constant 0 : i32
        %dma_start3A_192 = tpu.memref_slice %arg6[%run_scoped3A, %dma_start3A_190, %dma_start3A_191] : memref<4x128x128xf32, #tpu.memory_space<vmem>> -> memref<1x128x128xf32, #tpu.memory_space<vmem>>
        %dma_start3A_193 = tpu.memref_squeeze %dma_start3A_192 : memref<1x128x128xf32, #tpu.memory_space<vmem>> -> memref<128x128xf32, #tpu.memory_space<vmem>>
        tpu.enqueue_dma source(%dma_start3A_193 : memref<128x128xf32, #tpu.memory_space<vmem>>) target(%dma_start3A_189 : memref<128x128xf32, #tpu.memory_space<hbm>>) target_semaphore(%run_scoped3A_182 : memref<!tpu.dma_semaphore, #tpu.memory_space<semaphore_mem>>)
        %dma_wait3A_194 = arith.constant 0 : i32
        %dma_wait3A_195 = arith.constant 0 : i32
        %dma_wait3A_196 = tpu.memref_slice %arg6[%run_scoped3A, %dma_wait3A_194, %dma_wait3A_195] : memref<4x128x128xf32, #tpu.memory_space<vmem>> -> memref<1x128x128xf32, #tpu.memory_space<vmem>>
        %dma_wait3A_197 = tpu.memref_squeeze %dma_wait3A_196 : memref<1x128x128xf32, #tpu.memory_space<vmem>> -> memref<128x128xf32, #tpu.memory_space<vmem>>
        %dma_wait3A_198 = arith.constant 0 : i32
        %dma_wait3A_199 = tpu.memref_slice %arg4[%multiple_of3A_181, %dma_wait3A_198] : memref<51200x128xf32, #tpu.memory_space<hbm>> -> memref<128x128xf32, #tpu.memory_space<hbm>>
        %dma_wait3A_200 = arith.constant 0 : i32
        %dma_wait3A_201 = tpu.memref_slice %arg4[%multiple_of3A_181, %dma_wait3A_200] : memref<51200x128xf32, #tpu.memory_space<hbm>> -> memref<128x128xf32, #tpu.memory_space<hbm>>
        %dma_wait3A_202 = arith.constant 0 : i32
        %dma_wait3A_203 = arith.constant 0 : i32
        %dma_wait3A_204 = tpu.memref_slice %arg6[%run_scoped3A, %dma_wait3A_202, %dma_wait3A_203] : memref<4x128x128xf32, #tpu.memory_space<vmem>> -> memref<1x128x128xf32, #tpu.memory_space<vmem>>
        %dma_wait3A_205 = tpu.memref_squeeze %dma_wait3A_204 : memref<1x128x128xf32, #tpu.memory_space<vmem>> -> memref<128x128xf32, #tpu.memory_space<vmem>>
        tpu.wait_dma2 semaphore(%run_scoped3A_182 : memref<!tpu.dma_semaphore, #tpu.memory_space<semaphore_mem>>) src(%dma_wait3A_205 : memref<128x128xf32, #tpu.memory_space<vmem>>) dst(%dma_wait3A_201 : memref<128x128xf32, #tpu.memory_space<hbm>>)
        tpu.yield
      }) : () -> ()
    } else {
    }
    %gt3A_143 = arith.constant 15 : i32
    %gt3A_144 = arith.cmpi sgt, %select_n3A, %gt3A_143 : i32
    %convert_element_type3A_145 = arith.extui %gt3A_144 : i1 to i32
    %cond3A_146 = arith.constant 0 : i32
    %cond3A_147 = arith.cmpi ne, %convert_element_type3A_145, %cond3A_146 : i32
    scf.if %cond3A_147 {
      %dma_start3A = arith.constant 3 : i32
      %dma_start3A_168 = arith.constant 0 : i32
      %dma_start3A_169 = arith.constant 0 : i32
      %dma_start3A_170 = tpu.memref_slice %arg6[%dma_start3A, %dma_start3A_168, %dma_start3A_169] : memref<4x128x128xf32, #tpu.memory_space<vmem>> -> memref<1x128x128xf32, #tpu.memory_space<vmem>>
      %dma_start3A_171 = tpu.memref_squeeze %dma_start3A_170 : memref<1x128x128xf32, #tpu.memory_space<vmem>> -> memref<128x128xf32, #tpu.memory_space<vmem>>
      %dma_start3A_172 = arith.constant 1920 : i32
      %dma_start3A_173 = tpu.memref_slice %arg5[%dma_start3A_172] : memref<2048xi32, #tpu.memory_space<vmem>> -> memref<128xi32, #tpu.memory_space<vmem>>
      %dma_start3A_174 = arith.constant 0 : i32
      %dma_start3A_175 = arith.constant 0 : i32
      %dma_start3A_176 = tpu.memref_slice %arg3[%dma_start3A_174, %dma_start3A_175] : memref<100000x128xf32, #tpu.memory_space<hbm>> -> memref<100000x128xf32, #tpu.memory_space<hbm>>
      tpu.enqueue_indirect_dma source(%dma_start3A_176 : memref<100000x128xf32, #tpu.memory_space<hbm>>) target(%dma_start3A_171 : memref<128x128xf32, #tpu.memory_space<vmem>>) offsets(%dma_start3A_173 : memref<128xi32, #tpu.memory_space<vmem>>) semaphore(%arg7 : memref<!tpu.dma_semaphore, #tpu.memory_space<semaphore_mem>>)
    } else {
    }
    %gt3A_148 = arith.constant 12 : i32
    %gt3A_149 = arith.cmpi sgt, %select_n3A, %gt3A_148 : i32
    %convert_element_type3A_150 = arith.extui %gt3A_149 : i1 to i32
    %cond3A_151 = arith.constant 0 : i32
    %cond3A_152 = arith.cmpi ne, %convert_element_type3A_150, %cond3A_151 : i32
    scf.if %cond3A_152 {
      %dma_wait3A = arith.constant 0 : i32
      %dma_wait3A_168 = arith.constant 0 : i32
      %dma_wait3A_169 = arith.constant 0 : i32
      %dma_wait3A_170 = tpu.memref_slice %arg6[%dma_wait3A, %dma_wait3A_168, %dma_wait3A_169] : memref<4x128x128xf32, #tpu.memory_space<vmem>> -> memref<1x128x128xf32, #tpu.memory_space<vmem>>
      %dma_wait3A_171 = tpu.memref_squeeze %dma_wait3A_170 : memref<1x128x128xf32, #tpu.memory_space<vmem>> -> memref<128x128xf32, #tpu.memory_space<vmem>>
      %dma_wait3A_172 = arith.constant 1536 : i32
      %dma_wait3A_173 = tpu.memref_slice %arg5[%dma_wait3A_172] : memref<2048xi32, #tpu.memory_space<vmem>> -> memref<128xi32, #tpu.memory_space<vmem>>
      %dma_wait3A_174 = arith.constant 0 : i32
      %dma_wait3A_175 = arith.constant 0 : i32
      %dma_wait3A_176 = tpu.memref_slice %arg3[%dma_wait3A_174, %dma_wait3A_175] : memref<100000x128xf32, #tpu.memory_space<hbm>> -> memref<100000x128xf32, #tpu.memory_space<hbm>>
      tpu.wait_indirect_dma semaphore(%arg7 : memref<!tpu.dma_semaphore, #tpu.memory_space<semaphore_mem>>) src(%dma_wait3A_176 : memref<100000x128xf32, #tpu.memory_space<hbm>>) dst(%dma_wait3A_171 : memref<128x128xf32, #tpu.memory_space<vmem>>)
      %add3A_177 = arith.constant 12 : i32
      %add3A_178 = arith.addi %select_n3A_8, %add3A_177 : i32
      %mul3A_179 = arith.constant 128 : i32
      %mul3A_180 = arith.muli %add3A_178, %mul3A_179 : i32
      %multiple_of3A_181 = tpu.assume_multiple %mul3A_180, 128 : i32
      %run_scoped3A = arith.constant 0 : i32
      "tpu.region"() ({
        %run_scoped3A_182 = tpu.sem_alloc : memref<!tpu.dma_semaphore, #tpu.memory_space<semaphore_mem>>
        %dma_start3A = arith.constant 0 : i32
        %dma_start3A_183 = arith.constant 0 : i32
        %dma_start3A_184 = tpu.memref_slice %arg6[%run_scoped3A, %dma_start3A, %dma_start3A_183] : memref<4x128x128xf32, #tpu.memory_space<vmem>> -> memref<1x128x128xf32, #tpu.memory_space<vmem>>
        %dma_start3A_185 = tpu.memref_squeeze %dma_start3A_184 : memref<1x128x128xf32, #tpu.memory_space<vmem>> -> memref<128x128xf32, #tpu.memory_space<vmem>>
        %dma_start3A_186 = arith.constant 0 : i32
        %dma_start3A_187 = tpu.memref_slice %arg4[%multiple_of3A_181, %dma_start3A_186] : memref<51200x128xf32, #tpu.memory_space<hbm>> -> memref<128x128xf32, #tpu.memory_space<hbm>>
        %dma_start3A_188 = arith.constant 0 : i32
        %dma_start3A_189 = tpu.memref_slice %arg4[%multiple_of3A_181, %dma_start3A_188] : memref<51200x128xf32, #tpu.memory_space<hbm>> -> memref<128x128xf32, #tpu.memory_space<hbm>>
        %dma_start3A_190 = arith.constant 0 : i32
        %dma_start3A_191 = arith.constant 0 : i32
        %dma_start3A_192 = tpu.memref_slice %arg6[%run_scoped3A, %dma_start3A_190, %dma_start3A_191] : memref<4x128x128xf32, #tpu.memory_space<vmem>> -> memref<1x128x128xf32, #tpu.memory_space<vmem>>
        %dma_start3A_193 = tpu.memref_squeeze %dma_start3A_192 : memref<1x128x128xf32, #tpu.memory_space<vmem>> -> memref<128x128xf32, #tpu.memory_space<vmem>>
        tpu.enqueue_dma source(%dma_start3A_193 : memref<128x128xf32, #tpu.memory_space<vmem>>) target(%dma_start3A_189 : memref<128x128xf32, #tpu.memory_space<hbm>>) target_semaphore(%run_scoped3A_182 : memref<!tpu.dma_semaphore, #tpu.memory_space<semaphore_mem>>)
        %dma_wait3A_194 = arith.constant 0 : i32
        %dma_wait3A_195 = arith.constant 0 : i32
        %dma_wait3A_196 = tpu.memref_slice %arg6[%run_scoped3A, %dma_wait3A_194, %dma_wait3A_195] : memref<4x128x128xf32, #tpu.memory_space<vmem>> -> memref<1x128x128xf32, #tpu.memory_space<vmem>>
        %dma_wait3A_197 = tpu.memref_squeeze %dma_wait3A_196 : memref<1x128x128xf32, #tpu.memory_space<vmem>> -> memref<128x128xf32, #tpu.memory_space<vmem>>
        %dma_wait3A_198 = arith.constant 0 : i32
        %dma_wait3A_199 = tpu.memref_slice %arg4[%multiple_of3A_181, %dma_wait3A_198] : memref<51200x128xf32, #tpu.memory_space<hbm>> -> memref<128x128xf32, #tpu.memory_space<hbm>>
        %dma_wait3A_200 = arith.constant 0 : i32
        %dma_wait3A_201 = tpu.memref_slice %arg4[%multiple_of3A_181, %dma_wait3A_200] : memref<51200x128xf32, #tpu.memory_space<hbm>> -> memref<128x128xf32, #tpu.memory_space<hbm>>
        %dma_wait3A_202 = arith.constant 0 : i32
        %dma_wait3A_203 = arith.constant 0 : i32
        %dma_wait3A_204 = tpu.memref_slice %arg6[%run_scoped3A, %dma_wait3A_202, %dma_wait3A_203] : memref<4x128x128xf32, #tpu.memory_space<vmem>> -> memref<1x128x128xf32, #tpu.memory_space<vmem>>
        %dma_wait3A_205 = tpu.memref_squeeze %dma_wait3A_204 : memref<1x128x128xf32, #tpu.memory_space<vmem>> -> memref<128x128xf32, #tpu.memory_space<vmem>>
        tpu.wait_dma2 semaphore(%run_scoped3A_182 : memref<!tpu.dma_semaphore, #tpu.memory_space<semaphore_mem>>) src(%dma_wait3A_205 : memref<128x128xf32, #tpu.memory_space<vmem>>) dst(%dma_wait3A_201 : memref<128x128xf32, #tpu.memory_space<hbm>>)
        tpu.yield
      }) : () -> ()
    } else {
    }
    %gt3A_153 = arith.constant 13 : i32
    %gt3A_154 = arith.cmpi sgt, %select_n3A, %gt3A_153 : i32
    %convert_element_type3A_155 = arith.extui %gt3A_154 : i1 to i32
    %cond3A_156 = arith.constant 0 : i32
    %cond3A_157 = arith.cmpi ne, %convert_element_type3A_155, %cond3A_156 : i32
    scf.if %cond3A_157 {
      %dma_wait3A = arith.constant 1 : i32
      %dma_wait3A_168 = arith.constant 0 : i32
      %dma_wait3A_169 = arith.constant 0 : i32
      %dma_wait3A_170 = tpu.memref_slice %arg6[%dma_wait3A, %dma_wait3A_168, %dma_wait3A_169] : memref<4x128x128xf32, #tpu.memory_space<vmem>> -> memref<1x128x128xf32, #tpu.memory_space<vmem>>
      %dma_wait3A_171 = tpu.memref_squeeze %dma_wait3A_170 : memref<1x128x128xf32, #tpu.memory_space<vmem>> -> memref<128x128xf32, #tpu.memory_space<vmem>>
      %dma_wait3A_172 = arith.constant 1664 : i32
      %dma_wait3A_173 = tpu.memref_slice %arg5[%dma_wait3A_172] : memref<2048xi32, #tpu.memory_space<vmem>> -> memref<128xi32, #tpu.memory_space<vmem>>
      %dma_wait3A_174 = arith.constant 0 : i32
      %dma_wait3A_175 = arith.constant 0 : i32
      %dma_wait3A_176 = tpu.memref_slice %arg3[%dma_wait3A_174, %dma_wait3A_175] : memref<100000x128xf32, #tpu.memory_space<hbm>> -> memref<100000x128xf32, #tpu.memory_space<hbm>>
      tpu.wait_indirect_dma semaphore(%arg7 : memref<!tpu.dma_semaphore, #tpu.memory_space<semaphore_mem>>) src(%dma_wait3A_176 : memref<100000x128xf32, #tpu.memory_space<hbm>>) dst(%dma_wait3A_171 : memref<128x128xf32, #tpu.memory_space<vmem>>)
      %add3A_177 = arith.constant 13 : i32
      %add3A_178 = arith.addi %select_n3A_8, %add3A_177 : i32
      %mul3A_179 = arith.constant 128 : i32
      %mul3A_180 = arith.muli %add3A_178, %mul3A_179 : i32
      %multiple_of3A_181 = tpu.assume_multiple %mul3A_180, 128 : i32
      %run_scoped3A = arith.constant 1 : i32
      "tpu.region"() ({
        %run_scoped3A_182 = tpu.sem_alloc : memref<!tpu.dma_semaphore, #tpu.memory_space<semaphore_mem>>
        %dma_start3A = arith.constant 0 : i32
        %dma_start3A_183 = arith.constant 0 : i32
        %dma_start3A_184 = tpu.memref_slice %arg6[%run_scoped3A, %dma_start3A, %dma_start3A_183] : memref<4x128x128xf32, #tpu.memory_space<vmem>> -> memref<1x128x128xf32, #tpu.memory_space<vmem>>
        %dma_start3A_185 = tpu.memref_squeeze %dma_start3A_184 : memref<1x128x128xf32, #tpu.memory_space<vmem>> -> memref<128x128xf32, #tpu.memory_space<vmem>>
        %dma_start3A_186 = arith.constant 0 : i32
        %dma_start3A_187 = tpu.memref_slice %arg4[%multiple_of3A_181, %dma_start3A_186] : memref<51200x128xf32, #tpu.memory_space<hbm>> -> memref<128x128xf32, #tpu.memory_space<hbm>>
        %dma_start3A_188 = arith.constant 0 : i32
        %dma_start3A_189 = tpu.memref_slice %arg4[%multiple_of3A_181, %dma_start3A_188] : memref<51200x128xf32, #tpu.memory_space<hbm>> -> memref<128x128xf32, #tpu.memory_space<hbm>>
        %dma_start3A_190 = arith.constant 0 : i32
        %dma_start3A_191 = arith.constant 0 : i32
        %dma_start3A_192 = tpu.memref_slice %arg6[%run_scoped3A, %dma_start3A_190, %dma_start3A_191] : memref<4x128x128xf32, #tpu.memory_space<vmem>> -> memref<1x128x128xf32, #tpu.memory_space<vmem>>
        %dma_start3A_193 = tpu.memref_squeeze %dma_start3A_192 : memref<1x128x128xf32, #tpu.memory_space<vmem>> -> memref<128x128xf32, #tpu.memory_space<vmem>>
        tpu.enqueue_dma source(%dma_start3A_193 : memref<128x128xf32, #tpu.memory_space<vmem>>) target(%dma_start3A_189 : memref<128x128xf32, #tpu.memory_space<hbm>>) target_semaphore(%run_scoped3A_182 : memref<!tpu.dma_semaphore, #tpu.memory_space<semaphore_mem>>)
        %dma_wait3A_194 = arith.constant 0 : i32
        %dma_wait3A_195 = arith.constant 0 : i32
        %dma_wait3A_196 = tpu.memref_slice %arg6[%run_scoped3A, %dma_wait3A_194, %dma_wait3A_195] : memref<4x128x128xf32, #tpu.memory_space<vmem>> -> memref<1x128x128xf32, #tpu.memory_space<vmem>>
        %dma_wait3A_197 = tpu.memref_squeeze %dma_wait3A_196 : memref<1x128x128xf32, #tpu.memory_space<vmem>> -> memref<128x128xf32, #tpu.memory_space<vmem>>
        %dma_wait3A_198 = arith.constant 0 : i32
        %dma_wait3A_199 = tpu.memref_slice %arg4[%multiple_of3A_181, %dma_wait3A_198] : memref<51200x128xf32, #tpu.memory_space<hbm>> -> memref<128x128xf32, #tpu.memory_space<hbm>>
        %dma_wait3A_200 = arith.constant 0 : i32
        %dma_wait3A_201 = tpu.memref_slice %arg4[%multiple_of3A_181, %dma_wait3A_200] : memref<51200x128xf32, #tpu.memory_space<hbm>> -> memref<128x128xf32, #tpu.memory_space<hbm>>
        %dma_wait3A_202 = arith.constant 0 : i32
        %dma_wait3A_203 = arith.constant 0 : i32
        %dma_wait3A_204 = tpu.memref_slice %arg6[%run_scoped3A, %dma_wait3A_202, %dma_wait3A_203] : memref<4x128x128xf32, #tpu.memory_space<vmem>> -> memref<1x128x128xf32, #tpu.memory_space<vmem>>
        %dma_wait3A_205 = tpu.memref_squeeze %dma_wait3A_204 : memref<1x128x128xf32, #tpu.memory_space<vmem>> -> memref<128x128xf32, #tpu.memory_space<vmem>>
        tpu.wait_dma2 semaphore(%run_scoped3A_182 : memref<!tpu.dma_semaphore, #tpu.memory_space<semaphore_mem>>) src(%dma_wait3A_205 : memref<128x128xf32, #tpu.memory_space<vmem>>) dst(%dma_wait3A_201 : memref<128x128xf32, #tpu.memory_space<hbm>>)
        tpu.yield
      }) : () -> ()
    } else {
    }
    %gt3A_158 = arith.constant 14 : i32
    %gt3A_159 = arith.cmpi sgt, %select_n3A, %gt3A_158 : i32
    %convert_element_type3A_160 = arith.extui %gt3A_159 : i1 to i32
    %cond3A_161 = arith.constant 0 : i32
    %cond3A_162 = arith.cmpi ne, %convert_element_type3A_160, %cond3A_161 : i32
    scf.if %cond3A_162 {
      %dma_wait3A = arith.constant 2 : i32
      %dma_wait3A_168 = arith.constant 0 : i32
      %dma_wait3A_169 = arith.constant 0 : i32
      %dma_wait3A_170 = tpu.memref_slice %arg6[%dma_wait3A, %dma_wait3A_168, %dma_wait3A_169] : memref<4x128x128xf32, #tpu.memory_space<vmem>> -> memref<1x128x128xf32, #tpu.memory_space<vmem>>
      %dma_wait3A_171 = tpu.memref_squeeze %dma_wait3A_170 : memref<1x128x128xf32, #tpu.memory_space<vmem>> -> memref<128x128xf32, #tpu.memory_space<vmem>>
      %dma_wait3A_172 = arith.constant 1792 : i32
      %dma_wait3A_173 = tpu.memref_slice %arg5[%dma_wait3A_172] : memref<2048xi32, #tpu.memory_space<vmem>> -> memref<128xi32, #tpu.memory_space<vmem>>
      %dma_wait3A_174 = arith.constant 0 : i32
      %dma_wait3A_175 = arith.constant 0 : i32
      %dma_wait3A_176 = tpu.memref_slice %arg3[%dma_wait3A_174, %dma_wait3A_175] : memref<100000x128xf32, #tpu.memory_space<hbm>> -> memref<100000x128xf32, #tpu.memory_space<hbm>>
      tpu.wait_indirect_dma semaphore(%arg7 : memref<!tpu.dma_semaphore, #tpu.memory_space<semaphore_mem>>) src(%dma_wait3A_176 : memref<100000x128xf32, #tpu.memory_space<hbm>>) dst(%dma_wait3A_171 : memref<128x128xf32, #tpu.memory_space<vmem>>)
      %add3A_177 = arith.constant 14 : i32
      %add3A_178 = arith.addi %select_n3A_8, %add3A_177 : i32
      %mul3A_179 = arith.constant 128 : i32
      %mul3A_180 = arith.muli %add3A_178, %mul3A_179 : i32
      %multiple_of3A_181 = tpu.assume_multiple %mul3A_180, 128 : i32
      %run_scoped3A = arith.constant 2 : i32
      "tpu.region"() ({
        %run_scoped3A_182 = tpu.sem_alloc : memref<!tpu.dma_semaphore, #tpu.memory_space<semaphore_mem>>
        %dma_start3A = arith.constant 0 : i32
        %dma_start3A_183 = arith.constant 0 : i32
        %dma_start3A_184 = tpu.memref_slice %arg6[%run_scoped3A, %dma_start3A, %dma_start3A_183] : memref<4x128x128xf32, #tpu.memory_space<vmem>> -> memref<1x128x128xf32, #tpu.memory_space<vmem>>
        %dma_start3A_185 = tpu.memref_squeeze %dma_start3A_184 : memref<1x128x128xf32, #tpu.memory_space<vmem>> -> memref<128x128xf32, #tpu.memory_space<vmem>>
        %dma_start3A_186 = arith.constant 0 : i32
        %dma_start3A_187 = tpu.memref_slice %arg4[%multiple_of3A_181, %dma_start3A_186] : memref<51200x128xf32, #tpu.memory_space<hbm>> -> memref<128x128xf32, #tpu.memory_space<hbm>>
        %dma_start3A_188 = arith.constant 0 : i32
        %dma_start3A_189 = tpu.memref_slice %arg4[%multiple_of3A_181, %dma_start3A_188] : memref<51200x128xf32, #tpu.memory_space<hbm>> -> memref<128x128xf32, #tpu.memory_space<hbm>>
        %dma_start3A_190 = arith.constant 0 : i32
        %dma_start3A_191 = arith.constant 0 : i32
        %dma_start3A_192 = tpu.memref_slice %arg6[%run_scoped3A, %dma_start3A_190, %dma_start3A_191] : memref<4x128x128xf32, #tpu.memory_space<vmem>> -> memref<1x128x128xf32, #tpu.memory_space<vmem>>
        %dma_start3A_193 = tpu.memref_squeeze %dma_start3A_192 : memref<1x128x128xf32, #tpu.memory_space<vmem>> -> memref<128x128xf32, #tpu.memory_space<vmem>>
        tpu.enqueue_dma source(%dma_start3A_193 : memref<128x128xf32, #tpu.memory_space<vmem>>) target(%dma_start3A_189 : memref<128x128xf32, #tpu.memory_space<hbm>>) target_semaphore(%run_scoped3A_182 : memref<!tpu.dma_semaphore, #tpu.memory_space<semaphore_mem>>)
        %dma_wait3A_194 = arith.constant 0 : i32
        %dma_wait3A_195 = arith.constant 0 : i32
        %dma_wait3A_196 = tpu.memref_slice %arg6[%run_scoped3A, %dma_wait3A_194, %dma_wait3A_195] : memref<4x128x128xf32, #tpu.memory_space<vmem>> -> memref<1x128x128xf32, #tpu.memory_space<vmem>>
        %dma_wait3A_197 = tpu.memref_squeeze %dma_wait3A_196 : memref<1x128x128xf32, #tpu.memory_space<vmem>> -> memref<128x128xf32, #tpu.memory_space<vmem>>
        %dma_wait3A_198 = arith.constant 0 : i32
        %dma_wait3A_199 = tpu.memref_slice %arg4[%multiple_of3A_181, %dma_wait3A_198] : memref<51200x128xf32, #tpu.memory_space<hbm>> -> memref<128x128xf32, #tpu.memory_space<hbm>>
        %dma_wait3A_200 = arith.constant 0 : i32
        %dma_wait3A_201 = tpu.memref_slice %arg4[%multiple_of3A_181, %dma_wait3A_200] : memref<51200x128xf32, #tpu.memory_space<hbm>> -> memref<128x128xf32, #tpu.memory_space<hbm>>
        %dma_wait3A_202 = arith.constant 0 : i32
        %dma_wait3A_203 = arith.constant 0 : i32
        %dma_wait3A_204 = tpu.memref_slice %arg6[%run_scoped3A, %dma_wait3A_202, %dma_wait3A_203] : memref<4x128x128xf32, #tpu.memory_space<vmem>> -> memref<1x128x128xf32, #tpu.memory_space<vmem>>
        %dma_wait3A_205 = tpu.memref_squeeze %dma_wait3A_204 : memref<1x128x128xf32, #tpu.memory_space<vmem>> -> memref<128x128xf32, #tpu.memory_space<vmem>>
        tpu.wait_dma2 semaphore(%run_scoped3A_182 : memref<!tpu.dma_semaphore, #tpu.memory_space<semaphore_mem>>) src(%dma_wait3A_205 : memref<128x128xf32, #tpu.memory_space<vmem>>) dst(%dma_wait3A_201 : memref<128x128xf32, #tpu.memory_space<hbm>>)
        tpu.yield
      }) : () -> ()
    } else {
    }
    %gt3A_163 = arith.constant 15 : i32
    %gt3A_164 = arith.cmpi sgt, %select_n3A, %gt3A_163 : i32
    %convert_element_type3A_165 = arith.extui %gt3A_164 : i1 to i32
    %cond3A_166 = arith.constant 0 : i32
    %cond3A_167 = arith.cmpi ne, %convert_element_type3A_165, %cond3A_166 : i32
    scf.if %cond3A_167 {
      %dma_wait3A = arith.constant 3 : i32
      %dma_wait3A_168 = arith.constant 0 : i32
      %dma_wait3A_169 = arith.constant 0 : i32
      %dma_wait3A_170 = tpu.memref_slice %arg6[%dma_wait3A, %dma_wait3A_168, %dma_wait3A_169] : memref<4x128x128xf32, #tpu.memory_space<vmem>> -> memref<1x128x128xf32, #tpu.memory_space<vmem>>
      %dma_wait3A_171 = tpu.memref_squeeze %dma_wait3A_170 : memref<1x128x128xf32, #tpu.memory_space<vmem>> -> memref<128x128xf32, #tpu.memory_space<vmem>>
      %dma_wait3A_172 = arith.constant 1920 : i32
      %dma_wait3A_173 = tpu.memref_slice %arg5[%dma_wait3A_172] : memref<2048xi32, #tpu.memory_space<vmem>> -> memref<128xi32, #tpu.memory_space<vmem>>
      %dma_wait3A_174 = arith.constant 0 : i32
      %dma_wait3A_175 = arith.constant 0 : i32
      %dma_wait3A_176 = tpu.memref_slice %arg3[%dma_wait3A_174, %dma_wait3A_175] : memref<100000x128xf32, #tpu.memory_space<hbm>> -> memref<100000x128xf32, #tpu.memory_space<hbm>>
      tpu.wait_indirect_dma semaphore(%arg7 : memref<!tpu.dma_semaphore, #tpu.memory_space<semaphore_mem>>) src(%dma_wait3A_176 : memref<100000x128xf32, #tpu.memory_space<hbm>>) dst(%dma_wait3A_171 : memref<128x128xf32, #tpu.memory_space<vmem>>)
      %add3A_177 = arith.constant 15 : i32
      %add3A_178 = arith.addi %select_n3A_8, %add3A_177 : i32
      %mul3A_179 = arith.constant 128 : i32
      %mul3A_180 = arith.muli %add3A_178, %mul3A_179 : i32
      %multiple_of3A_181 = tpu.assume_multiple %mul3A_180, 128 : i32
      %run_scoped3A = arith.constant 3 : i32
      "tpu.region"() ({
        %run_scoped3A_182 = tpu.sem_alloc : memref<!tpu.dma_semaphore, #tpu.memory_space<semaphore_mem>>
        %dma_start3A = arith.constant 0 : i32
        %dma_start3A_183 = arith.constant 0 : i32
        %dma_start3A_184 = tpu.memref_slice %arg6[%run_scoped3A, %dma_start3A, %dma_start3A_183] : memref<4x128x128xf32, #tpu.memory_space<vmem>> -> memref<1x128x128xf32, #tpu.memory_space<vmem>>
        %dma_start3A_185 = tpu.memref_squeeze %dma_start3A_184 : memref<1x128x128xf32, #tpu.memory_space<vmem>> -> memref<128x128xf32, #tpu.memory_space<vmem>>
        %dma_start3A_186 = arith.constant 0 : i32
        %dma_start3A_187 = tpu.memref_slice %arg4[%multiple_of3A_181, %dma_start3A_186] : memref<51200x128xf32, #tpu.memory_space<hbm>> -> memref<128x128xf32, #tpu.memory_space<hbm>>
        %dma_start3A_188 = arith.constant 0 : i32
        %dma_start3A_189 = tpu.memref_slice %arg4[%multiple_of3A_181, %dma_start3A_188] : memref<51200x128xf32, #tpu.memory_space<hbm>> -> memref<128x128xf32, #tpu.memory_space<hbm>>
        %dma_start3A_190 = arith.constant 0 : i32
        %dma_start3A_191 = arith.constant 0 : i32
        %dma_start3A_192 = tpu.memref_slice %arg6[%run_scoped3A, %dma_start3A_190, %dma_start3A_191] : memref<4x128x128xf32, #tpu.memory_space<vmem>> -> memref<1x128x128xf32, #tpu.memory_space<vmem>>
        %dma_start3A_193 = tpu.memref_squeeze %dma_start3A_192 : memref<1x128x128xf32, #tpu.memory_space<vmem>> -> memref<128x128xf32, #tpu.memory_space<vmem>>
        tpu.enqueue_dma source(%dma_start3A_193 : memref<128x128xf32, #tpu.memory_space<vmem>>) target(%dma_start3A_189 : memref<128x128xf32, #tpu.memory_space<hbm>>) target_semaphore(%run_scoped3A_182 : memref<!tpu.dma_semaphore, #tpu.memory_space<semaphore_mem>>)
        %dma_wait3A_194 = arith.constant 0 : i32
        %dma_wait3A_195 = arith.constant 0 : i32
        %dma_wait3A_196 = tpu.memref_slice %arg6[%run_scoped3A, %dma_wait3A_194, %dma_wait3A_195] : memref<4x128x128xf32, #tpu.memory_space<vmem>> -> memref<1x128x128xf32, #tpu.memory_space<vmem>>
        %dma_wait3A_197 = tpu.memref_squeeze %dma_wait3A_196 : memref<1x128x128xf32, #tpu.memory_space<vmem>> -> memref<128x128xf32, #tpu.memory_space<vmem>>
        %dma_wait3A_198 = arith.constant 0 : i32
        %dma_wait3A_199 = tpu.memref_slice %arg4[%multiple_of3A_181, %dma_wait3A_198] : memref<51200x128xf32, #tpu.memory_space<hbm>> -> memref<128x128xf32, #tpu.memory_space<hbm>>
        %dma_wait3A_200 = arith.constant 0 : i32
        %dma_wait3A_201 = tpu.memref_slice %arg4[%multiple_of3A_181, %dma_wait3A_200] : memref<51200x128xf32, #tpu.memory_space<hbm>> -> memref<128x128xf32, #tpu.memory_space<hbm>>
        %dma_wait3A_202 = arith.constant 0 : i32
        %dma_wait3A_203 = arith.constant 0 : i32
        %dma_wait3A_204 = tpu.memref_slice %arg6[%run_scoped3A, %dma_wait3A_202, %dma_wait3A_203] : memref<4x128x128xf32, #tpu.memory_space<vmem>> -> memref<1x128x128xf32, #tpu.memory_space<vmem>>
        %dma_wait3A_205 = tpu.memref_squeeze %dma_wait3A_204 : memref<1x128x128xf32, #tpu.memory_space<vmem>> -> memref<128x128xf32, #tpu.memory_space<vmem>>
        tpu.wait_dma2 semaphore(%run_scoped3A_182 : memref<!tpu.dma_semaphore, #tpu.memory_space<semaphore_mem>>) src(%dma_wait3A_205 : memref<128x128xf32, #tpu.memory_space<vmem>>) dst(%dma_wait3A_201 : memref<128x128xf32, #tpu.memory_space<hbm>>)
        tpu.yield
      }) : () -> ()
    } else {
    }
    return
  }
}

module attributes {stable_mosaic.version = 14 : i64} {
  func.func @_relu_ff_t_body(%arg0: i32, %arg1: memref<64x12544xf32, #tpu.memory_space<vmem>>, %arg2: memref<64x128xf32, #tpu.memory_space<vmem>>, %arg3: memref<1x128xf32, #tpu.memory_space<vmem>>, %arg4: memref<12544x128xf32, #tpu.memory_space<vmem>>) attributes {dimension_semantics = [#tpu.dimension_semantics<arbitrary>], iteration_bounds = array<i64: 8>, scalar_prefetch = 0 : i64, scratch_operands = 0 : i64, tpu.core_type = #tpu.core_type<tc>, window_params = [{transform_indices = @transform_0, window_bounds = array<i64: 64, 12544>}, {pipeline_mode = #tpu.pipeline_mode<synchronous>, transform_indices = @transform_1, window_bounds = array<i64: 64, 128>}, {pipeline_mode = #tpu.pipeline_mode<synchronous>, transform_indices = @transform_2, window_bounds = array<i64: 1, 128>}, {transform_indices = @transform_3, window_bounds = array<i64: 12544, 128>}]} {
    %get3A = arith.constant 0 : index
    %get3A_0 = arith.constant 0 : index
    %get3A_1 = vector.load %arg1[%get3A, %get3A_0] : memref<64x12544xf32, #tpu.memory_space<vmem>>, vector<64x12544xf32>
    %get3A_2 = arith.constant 0 : index
    %get3A_3 = arith.constant 0 : index
    %get3A_4 = vector.load %arg2[%get3A_2, %get3A_3] : memref<64x128xf32, #tpu.memory_space<vmem>>, vector<64x128xf32>
    %dot_general3A = arith.constant dense<0.000000e+00> : vector<12544x128xf32>
    %dot_general3A_5 = tpu.matmul %get3A_1, %get3A_4, %dot_general3A {dimension_numbers = #tpu.dot_dimension_numbers<[0], [0], [1], [1], [0, 1, 1, 1], [], []>, transpose_lhs_hint = false} : vector<64x12544xf32>, vector<64x128xf32>, vector<12544x128xf32> -> vector<12544x128xf32>
    %get3A_6 = arith.constant 0 : index
    %get3A_7 = arith.constant 0 : index
    %get3A_8 = vector.load %arg3[%get3A_6, %get3A_7] : memref<1x128xf32, #tpu.memory_space<vmem>>, vector<1x128xf32>
    %add3A = vector.broadcast %get3A_8 : vector<1x128xf32> to vector<12544x128xf32>
    %add3A_9 = arith.addf %dot_general3A_5, %add3A : vector<12544x128xf32>
    %max3A = arith.constant 0.000000e+00 : f32
    %max3A_10 = vector.broadcast %max3A : f32 to vector<12544x128xf32>
    %max3A_11 = arith.maximumf %add3A_9, %max3A_10 : vector<12544x128xf32>
    %swap3A = arith.constant 0 : index
    %swap3A_12 = arith.constant 0 : index
    %swap3A_13 = vector.load %arg4[%swap3A, %swap3A_12] : memref<12544x128xf32, #tpu.memory_space<vmem>>, vector<12544x128xf32>
    tpu.vector_store %arg4[%swap3A, %swap3A_12], %max3A_11 {strides = array<i32>} : memref<12544x128xf32, #tpu.memory_space<vmem>>, vector<12544x128xf32>,
    return
  }
  func.func @transform_0(%arg0: i32) -> (i32, i32) {
    %c0_i32 = arith.constant 0 : i32
    %c0_i32_0 = arith.constant 0 : i32
    return %c0_i32, %arg0 : i32, i32
  }
  func.func @transform_1(%arg0: i32) -> (i32, i32) {
    %c0_i32 = arith.constant 0 : i32
    %c0_i32_0 = arith.constant 0 : i32
    %c0_i32_1 = arith.constant 0 : i32
    return %c0_i32, %c0_i32_0 : i32, i32
  }
  func.func @transform_2(%arg0: i32) -> (i32, i32) {
    %c0_i32 = arith.constant 0 : i32
    %c0_i32_0 = arith.constant 0 : i32
    %c0_i32_1 = arith.constant 0 : i32
    return %c0_i32, %c0_i32_0 : i32, i32
  }
  func.func @transform_3(%arg0: i32) -> (i32, i32) {
    %c0_i32 = arith.constant 0 : i32
    %c0_i32_0 = arith.constant 0 : i32
    return %arg0, %c0_i32 : i32, i32
  }
}

module attributes {stable_mosaic.version = 14 : i64} {
  func.func @_out_softmax_t_body(%arg0: i32, %arg1: memref<2048x128xf32, #tpu.memory_space<vmem>>, %arg2: memref<1000x128xf32, #tpu.memory_space<vmem>>, %arg3: memref<1000x1xf32, #tpu.memory_space<vmem>>, %arg4: memref<2x1000x1024xf32, #tpu.memory_space<vmem>>) attributes {dimension_semantics = [#tpu.dimension_semantics<arbitrary>], iteration_bounds = array<i64: 25>, scalar_prefetch = 0 : i64, scratch_operands = 0 : i64, tpu.core_type = #tpu.core_type<tc>, window_params = [{transform_indices = @transform_0, window_bounds = array<i64: 2048, 128>}, {pipeline_mode = #tpu.pipeline_mode<synchronous>, transform_indices = @transform_1, window_bounds = array<i64: 1000, 128>}, {pipeline_mode = #tpu.pipeline_mode<synchronous>, transform_indices = @transform_2, window_bounds = array<i64: 1000, 1>}, {transform_indices = @transform_3, window_bounds = array<i64: 2, 1000, 1024>}]} {
    %get3A = arith.constant 0 : index
    %get3A_0 = arith.constant 0 : index
    %get3A_1 = vector.load %arg2[%get3A, %get3A_0] : memref<1000x128xf32, #tpu.memory_space<vmem>>, vector<1000x128xf32>
    %get3A_2 = arith.constant 0 : index
    %get3A_3 = arith.constant 0 : index
    %get3A_4 = vector.load %arg1[%get3A_2, %get3A_3] : memref<2048x128xf32, #tpu.memory_space<vmem>>, vector<1024x128xf32>
    %dot_general3A = arith.constant dense<0.000000e+00> : vector<1000x1024xf32>
    %dot_general3A_5 = tpu.matmul %get3A_1, %get3A_4, %dot_general3A {dimension_numbers = #tpu.dot_dimension_numbers<[1], [1], [0], [0], [0, 0, 1, 0], [], []>, transpose_lhs_hint = false} : vector<1000x128xf32>, vector<1024x128xf32>, vector<1000x1024xf32> -> vector<1000x1024xf32>
    %get3A_6 = arith.constant 0 : index
    %get3A_7 = arith.constant 0 : index
    %get3A_8 = vector.load %arg3[%get3A_6, %get3A_7] : memref<1000x1xf32, #tpu.memory_space<vmem>>, vector<1000x1xf32>
    %add3A = vector.broadcast %get3A_8 : vector<1000x1xf32> to vector<1000x1024xf32>
    %add3A_9 = arith.addf %dot_general3A_5, %add3A : vector<1000x1024xf32>
    %reduce_max3A = arith.constant dense<0xFF800000> : vector<1024xf32>
    %reduce_max3A_10 = vector.multi_reduction <maximumf>, %add3A_9, %reduce_max3A [0] : vector<1000x1024xf32> to vector<1024xf32>
    %broadcast_in_dim3A = vector.shape_cast %reduce_max3A_10 : vector<1024xf32> to vector<1x1024xf32>
    %sub3A = vector.broadcast %broadcast_in_dim3A : vector<1x1024xf32> to vector<1000x1024xf32>
    %sub3A_11 = arith.subf %add3A_9, %sub3A : vector<1000x1024xf32>
    %exp3A = math.exp %sub3A_11 : vector<1000x1024xf32>
    %reduce_sum3A = arith.constant dense<0.000000e+00> : vector<1024xf32>
    %reduce_sum3A_12 = vector.multi_reduction <add>, %exp3A, %reduce_sum3A [0] : vector<1000x1024xf32> to vector<1024xf32>
    %broadcast_in_dim3A_13 = vector.shape_cast %reduce_sum3A_12 : vector<1024xf32> to vector<1x1024xf32>
    %div3A = arith.constant 1.000000e+00 : f32
    %div3A_14 = vector.broadcast %div3A : f32 to vector<1x1024xf32>
    %div3A_15 = arith.divf %div3A_14, %broadcast_in_dim3A_13 : vector<1x1024xf32>
    %mul3A = vector.broadcast %div3A_15 : vector<1x1024xf32> to vector<1000x1024xf32>
    %mul3A_16 = arith.mulf %exp3A, %mul3A : vector<1000x1024xf32>
    %swap3A = arith.constant 0 : index
    %swap3A_17 = arith.constant 0 : index
    %swap3A_18 = arith.constant 0 : index
    %swap3A_19 = vector.load %arg4[%swap3A, %swap3A_17, %swap3A_18] : memref<2x1000x1024xf32, #tpu.memory_space<vmem>>, vector<1x1000x1024xf32>
    %swap3A_20 = vector.shape_cast %swap3A_19 : vector<1x1000x1024xf32> to vector<1000x1024xf32>
    %swap3A_21 = vector.shape_cast %mul3A_16 : vector<1000x1024xf32> to vector<1x1000x1024xf32>
    tpu.vector_store %arg4[%swap3A, %swap3A_17, %swap3A_18], %swap3A_21 {strides = array<i32>} : memref<2x1000x1024xf32, #tpu.memory_space<vmem>>, vector<1x1000x1024xf32>,
    %get3A_22 = arith.constant 0 : index
    %get3A_23 = arith.constant 0 : index
    %get3A_24 = vector.load %arg2[%get3A_22, %get3A_23] : memref<1000x128xf32, #tpu.memory_space<vmem>>, vector<1000x128xf32>
    %get3A_25 = arith.constant 1024 : index
    %get3A_26 = arith.constant 0 : index
    %get3A_27 = vector.load %arg1[%get3A_25, %get3A_26] : memref<2048x128xf32, #tpu.memory_space<vmem>>, vector<1024x128xf32>
    %dot_general3A_28 = arith.constant dense<0.000000e+00> : vector<1000x1024xf32>
    %dot_general3A_29 = tpu.matmul %get3A_24, %get3A_27, %dot_general3A_28 {dimension_numbers = #tpu.dot_dimension_numbers<[1], [1], [0], [0], [0, 0, 1, 0], [], []>, transpose_lhs_hint = false} : vector<1000x128xf32>, vector<1024x128xf32>, vector<1000x1024xf32> -> vector<1000x1024xf32>
    %get3A_30 = arith.constant 0 : index
    %get3A_31 = arith.constant 0 : index
    %get3A_32 = vector.load %arg3[%get3A_30, %get3A_31] : memref<1000x1xf32, #tpu.memory_space<vmem>>, vector<1000x1xf32>
    %add3A_33 = vector.broadcast %get3A_32 : vector<1000x1xf32> to vector<1000x1024xf32>
    %add3A_34 = arith.addf %dot_general3A_29, %add3A_33 : vector<1000x1024xf32>
    %reduce_max3A_35 = arith.constant dense<0xFF800000> : vector<1024xf32>
    %reduce_max3A_36 = vector.multi_reduction <maximumf>, %add3A_34, %reduce_max3A_35 [0] : vector<1000x1024xf32> to vector<1024xf32>
    %broadcast_in_dim3A_37 = vector.shape_cast %reduce_max3A_36 : vector<1024xf32> to vector<1x1024xf32>
    %sub3A_38 = vector.broadcast %broadcast_in_dim3A_37 : vector<1x1024xf32> to vector<1000x1024xf32>
    %sub3A_39 = arith.subf %add3A_34, %sub3A_38 : vector<1000x1024xf32>
    %exp3A_40 = math.exp %sub3A_39 : vector<1000x1024xf32>
    %reduce_sum3A_41 = arith.constant dense<0.000000e+00> : vector<1024xf32>
    %reduce_sum3A_42 = vector.multi_reduction <add>, %exp3A_40, %reduce_sum3A_41 [0] : vector<1000x1024xf32> to vector<1024xf32>
    %broadcast_in_dim3A_43 = vector.shape_cast %reduce_sum3A_42 : vector<1024xf32> to vector<1x1024xf32>
    %div3A_44 = arith.constant 1.000000e+00 : f32
    %div3A_45 = vector.broadcast %div3A_44 : f32 to vector<1x1024xf32>
    %div3A_46 = arith.divf %div3A_45, %broadcast_in_dim3A_43 : vector<1x1024xf32>
    %mul3A_47 = vector.broadcast %div3A_46 : vector<1x1024xf32> to vector<1000x1024xf32>
    %mul3A_48 = arith.mulf %exp3A_40, %mul3A_47 : vector<1000x1024xf32>
    %swap3A_49 = arith.constant 1 : index
    %swap3A_50 = arith.constant 0 : index
    %swap3A_51 = arith.constant 0 : index
    %swap3A_52 = vector.load %arg4[%swap3A_49, %swap3A_50, %swap3A_51] : memref<2x1000x1024xf32, #tpu.memory_space<vmem>>, vector<1x1000x1024xf32>
    %swap3A_53 = vector.shape_cast %swap3A_52 : vector<1x1000x1024xf32> to vector<1000x1024xf32>
    %swap3A_54 = vector.shape_cast %mul3A_48 : vector<1000x1024xf32> to vector<1x1000x1024xf32>
    tpu.vector_store %arg4[%swap3A_49, %swap3A_50, %swap3A_51], %swap3A_54 {strides = array<i32>} : memref<2x1000x1024xf32, #tpu.memory_space<vmem>>, vector<1x1000x1024xf32>,
    return
  }
  func.func @transform_0(%arg0: i32) -> (i32, i32) {
    %c0_i32 = arith.constant 0 : i32
    %c0_i32_0 = arith.constant 0 : i32
    return %arg0, %c0_i32 : i32, i32
  }
  func.func @transform_1(%arg0: i32) -> (i32, i32) {
    %c0_i32 = arith.constant 0 : i32
    %c0_i32_0 = arith.constant 0 : i32
    %c0_i32_1 = arith.constant 0 : i32
    return %c0_i32, %c0_i32_0 : i32, i32
  }
  func.func @transform_2(%arg0: i32) -> (i32, i32) {
    %c0_i32 = arith.constant 0 : i32
    %c0_i32_0 = arith.constant 0 : i32
    %c0_i32_1 = arith.constant 0 : i32
    return %c0_i32, %c0_i32_0 : i32, i32
  }
  func.func @transform_3(%arg0: i32) -> (i32, i32, i32) {
    %c0_i32 = arith.constant 0 : i32
    %c0_i32_0 = arith.constant 0 : i32
    %c0_i32_1 = arith.constant 0 : i32
    return %arg0, %c0_i32, %c0_i32_0 : i32, i32, i32
  }
}

</mosaic_0001>

<sc_bundles>
// kernel: kernel.5.cloned.1.call-start
scs
__scs_entry_jumppad:
0x0: {  	(pc) =	sbr.rel $0x88, $3  }
0x1: {  	(tag) =	ssettag $0x0;
	lr =	simm.s32 $0x1  }
0x2: {  	[smem:$0x3F9B] =	sst lr;
	_ =	strace $0xD0000000  }
0x3: {  	_ = 	snop  }
0x4: {  	_ = 	snop  }
0x5: {  	_ = 	snop  }
0x6: {  	_ = 	snop  }
0x7: {  	_ = 	snop  }
__scs_overlays_trampoline_lowered:
0x8: {  	[smem:$0x3FAA] =	sst s0  }
0x9: {  	[smem:$0x3FAB] =	sst s1  }
0xa: {  	[smem:$0x3FAC] =	sst s2  }
0xb: {  	[smem:$0x3FAD] =	sst s3  }
0xc: {  	[smem:$0x3FAE] =	sst s4  }
0xd: {  	[smem:$0x3FAF] =	sst s5  }
0xe: {  	[smem:$0x3FB0] =	sst s6  }
0xf: {  	[smem:$0x3FB1] =	sst s7  }
0x10: {  	[smem:$0x3FB2] =	sst s8  }
0x11: {  	[smem:$0x3FB3] =	sst s9;
	s0 =	simm.s32 @!p0 $0x0  }
0x12: {  	s1 =	sld [smem:$0x3F99];
	s0 =	simm.s32 @p0 $0x1  }
0x13: {  	[smem:$0x3FB4] =	sst s0;
	s0 =	simm.s32 @!p1 $0x0  }
0x14: {  	s2 =	sld [smem:$0x3F98];
	s0 =	simm.s32 @p1 $0x1  }
0x15: {  	[smem:$0x3FB5] =	sst s0;
	s0 =	simm.s32 @!p2 $0x0  }
0x16: {  	s3 =	sld [smem:$0x3FDB];
	s0 =	simm.s32 @p2 $0x1  }
0x17: {  	s4 =	simm.s32 $0x1BF5;
	[smem:$0x3FB7] =	sst s0  }
0x18: {  	s0 =	sld [smem:$0x3F9A];
	_ =	swait.ge [sflag:s4], $0x0  }
0x19: {  	s7 =	sld [smem:$0x3F9B]  }
0x1a: {  	s8 =	sadd.s32 $0xFFFFE003, lr  }
0x1b: {  	s9 =	sadd.s32 $0xFFFFFEF7, lr;
	s5 =	simm.s32 $0xFFFFFFFF;
	p2 =	slt.u32 s8, $0xFFFFF086  }
0x1c: {  	p1 =	slt.u32 s9, $0xF7A;
	s5 =	simm.s32 @!p2 $0x0  }
0x1d: {  	s5 =	simm.s32 @p1 $0x1;
	p0 =	seq.s32 s7, s2  }
0x1e: {  	s7 =	smul.u32 @!p0 $0xF7A, s2;
	p2 =	seq.s32 @!p0 s5, $0x0  }
0x1f: {  	s9 =	smul.u32 $0xF7A, s1;
	s8 =	simm.s32 @!p0 $0x1BF5;
	p2 =	por !p2, p0  }
0x20: {  	[sflag:s8] =	ssyncset.s32 @!p0 $0xFFFFF086;
	s6 =	sadd.s32 @!p0 s3, s7;
	s7 =	simm.s32 @!p0 $0x108  }
0x21: {  	s3 =	sadd.s32 s3, s9;
	s6 =	sadd.s32 @!p0 $0x88, s6;
	s7 =	simm.s32 @p2 $0x1082  }
0x22: {  	[simem:s7], [sflag:s8] =	dma.local @!p0 [hbm:s6], $0xF7A  }
0x23: {  	s9 =	sor.u32 $0xD0000000, s2;
	s6 =	simm.s32 $0x108;
	_ =	swait.ge @!p0 [sflag:s8], $0x0  }
0x24: {  	s3 =	sadd.s32 $0x88, s3;
	s6 =	simm.s32 @!p1 $0x1082;
	[sflag:s4] =	ssyncset.s32 $0xFFFFF086  }
0x25: {  	[simem:s6], [sflag:s4] =	dma.local [hbm:s3], $0xF7A  }
0x26: {  	[smem:$0x3F9B] =	sst s1;
	(tag) =	ssettag s2;
	_ =	strace s9  }
0x27: {  	s1 =	sld [smem:$0x3FAB]  }
0x28: {  	s2 =	sld [smem:$0x3FAC]  }
0x29: {  	s4 =	sld [smem:$0x3FAE]  }
0x2a: {  	p0 =	seq.s32 s5, $0x0;
	s5 =	sld [smem:$0x3FAF]  }
0x2b: {  	s6 =	sld [smem:$0x3FB0]  }
0x2c: {  	s7 =	sld [smem:$0x3FB1]  }
0x2d: {  	s3 =	simm.s32 $0x108;
	s8 =	sld [smem:$0x3FB2]  }
0x2e: {  	s3 =	simm.s32 @!p0 $0x1082;
	s9 =	sld [smem:$0x3FB3]  }
0x2f: {  	lr =	sadd.s32 s0, s3;
	s0 =	sld [smem:$0x3FAA]  }
0x30: {  	s3 =	sld [smem:$0x3FAD]  }
0x31: {  	[smem:$0x3FB6] =	sst s10  }
0x32: {  	s10 =	sld [smem:$0x3FB4];
	_ =	sdelay $0x3  }
0x33: {  	p0 =	seq.s32 s10, $0x1;
	s10 =	sld [smem:$0x3FB6];
	_ =	sdelay $0x3  }
0x34: {  	[smem:$0x3FB6] =	sst s10  }
0x35: {  	s10 =	sld [smem:$0x3FB5];
	_ =	sdelay $0x3  }
0x36: {  	p1 =	seq.s32 s10, $0x1;
	s10 =	sld [smem:$0x3FB6];
	_ =	sdelay $0x3  }
0x37: {  	[smem:$0x3FB6] =	sst s10  }
0x38: {  	s10 =	sld [smem:$0x3FB7]  }
0x39: {  	_ = 	snop;
	(pc) =	sbr.ind lr, $3  }
0x3a: {  	_ = 	snop  }
0x3b: {  	_ = 	snop  }
0x3c: {  	p2 =	seq.s32 s10, $0x1;
	s10 =	sld [smem:$0x3FB6]  }
0x3d: {  	_ =	shalt  }
0x3e: {  	_ =	shalt  }
0x3f: {  	_ =	shalt  }
0x40: {  	_ =	shalt  }
0x41: {  	_ =	shalt  }
0x42: {  	_ =	shalt  }
0x43: {  	_ =	shalt  }
0x44: {  	_ =	shalt  }
0x45: {  	_ =	shalt  }
0x46: {  	_ =	shalt  }
0x47: {  	_ =	shalt  }
0x48: {  	_ =	shalt  }
0x49: {  	_ =	shalt  }
0x4a: {  	_ =	shalt  }
0x4b: {  	_ =	shalt  }
0x4c: {  	_ =	shalt  }
0x4d: {  	_ =	shalt  }
0x4e: {  	_ =	shalt  }
0x4f: {  	_ =	shalt  }
0x50: {  	_ =	shalt  }
0x51: {  	_ =	shalt  }
0x52: {  	_ =	shalt  }
0x53: {  	_ =	shalt  }
0x54: {  	_ =	shalt  }
0x55: {  	_ =	shalt  }
0x56: {  	_ =	shalt  }
0x57: {  	_ =	shalt  }
0x58: {  	_ =	shalt  }
0x59: {  	_ =	shalt  }
0x5a: {  	_ =	shalt  }
0x5b: {  	_ =	shalt  }
0x5c: {  	_ =	shalt  }
0x5d: {  	_ =	shalt  }
0x5e: {  	_ =	shalt  }
0x5f: {  	_ =	shalt  }
0x60: {  	_ =	shalt  }
0x61: {  	_ =	shalt  }
0x62: {  	_ =	shalt  }
0x63: {  	_ =	shalt  }
0x64: {  	_ =	shalt  }
0x65: {  	_ =	shalt  }
0x66: {  	_ =	shalt  }
0x67: {  	_ =	shalt  }
0x68: {  	_ =	shalt  }
0x69: {  	_ =	shalt  }
0x6a: {  	_ =	shalt  }
0x6b: {  	_ =	shalt  }
0x6c: {  	_ =	shalt  }
0x6d: {  	_ =	shalt  }
0x6e: {  	_ =	shalt  }
0x6f: {  	_ =	shalt  }
0x70: {  	_ =	shalt  }
0x71: {  	_ =	shalt  }
0x72: {  	_ =	shalt  }
0x73: {  	_ =	shalt  }
0x74: {  	_ =	shalt  }
0x75: {  	_ =	shalt  }
0x76: {  	_ =	shalt  }
0x77: {  	_ =	shalt  }
0x78: {  	_ =	shalt  }
0x79: {  	_ =	shalt  }
0x7a: {  	_ =	shalt  }
0x7b: {  	_ =	shalt  }
0x7c: {  	_ =	shalt  }
0x7d: {  	_ =	shalt  }
0x7e: {  	_ =	shalt  }
0x7f: {  	_ =	shalt  }
0x80: {  	_ =	shalt  }
0x81: {  	_ =	shalt  }
0x82: {  	_ =	shalt  }
0x83: {  	_ =	shalt  }
0x84: {  	_ =	shalt  }
0x85: {  	_ =	shalt  }
0x86: {  	_ =	shalt  }
0x87: {  	_ =	shalt  }
.Lfunc_end0:
.L_simem_size_0:
called_computation_lowered:
.L_overlay_start_0:
0x88: {  	s2 =	sld [smem:$0x3FD9]  }
0x89: {  	s3 =	sld [smem:$0x3FFE];
	_ =	sdelay $0x1  }
0x8a: {  	s1 =	srdreg.scid  }
0x8b: {  	s0 =	sand.u32 $0x1, s1  }
0x8c: {  	s17 =	sshll.u32 s0, $0xA;
	s2 =	sadd.s32 s3, s2  }
0x8d: {  	s2 =	sadd.s32 s2, s17  }
0x8e: {  	[smem:$0x3FC2] =	sst s2  }
0x8f: {  	_ = 	snop  }
0x90: {  	s2 =	sld [smem:$0x3FD0];
	(tm) =	ssettm $0x1  }
0x91: {  	s18 =	sld [smem:$0x3FFB];
	_ =	sdelay $0x3  }
0x92: {  	_ =	strace s18  }
0x93: {  	s3 =	sld [smem:$0x3FFC];
	_ =	sdelay $0x3  }
0x94: {  	_ =	strace s3  }
0x95: {  	s3 =	sld [smem:$0x3FFD];
	_ =	sdelay $0x3  }
0x96: {  	_ =	strace s3  }
0x97: {  	_ =	strace $0x8FFFFFFF  }
0x98: {  	s19 =	sld [smem:$0x3FDB];
	_ =	sdelay $0x1  }
0x99: {  	s4 =	simm.s32 $_scs_section_size  }
0x9a: {  	s5 =	simm.s32 $_size__tile_overlayer_lowered;
	s6 =	simm.s32 $_tile_overlayer_lowered  }
0x9b: {  	s22 =	simm.s32 $0x1BFF;
	s21 =	sshll.u32 s6, $0x1;
	s3 =	sadd.s32 s4, s19  }
0x9c: {  	s7 =	simm.s32 $0x0;
	s20 =	sshll.u32 s5, $0x1;
	s5 =	sadd.s32 s21, s3  }
0x9d: {  	[timem:s7], [sflag:s22] =	dma.local [hbm:s5], s20  }
0x9e: {  	_ =	swait.ge [sflag:s22], s20  }
0x9f: {  	s4 =	ssub.s32 $0x0, s20;
	[sflag:s22] =	ssyncset.done $0x0  }
0xa0: {  	[sflag:s22] =	ssyncadd.s32 s4;
	_ =	sdelay $0x1  }
0xa1: {  	s23 =	simm.s32 $0x1B8B  }
0xa2: {  	_ =	swait.ge [sflag:s23], $0x1  }
0xa3: {  	[sflag:s23] =	ssyncset.done $0x0  }
0xa4: {  	s25 =	simm.s32 $0x1B8E;
	s24 =	sld [smem:$0x3FFE];
	[sflag:s23] =	ssyncadd.s32 $0xFFFFFFFF  }
0xa5: {  	s26 =	simm.s32 $execute0_lowered;
	[smem:$0x3FD2] =	sst s25  }
0xa6: {  	s5 =	sshll.u32 s26, $0x1;
	_ =	strace $0x80000046;
	[dreg:$0x1] =	wrdreg $0xFFFFFFFF  }
0xa7: {  	s28 =	simm.s32 $_size_execute0_lowered;
	s3 =	sadd.s32 s3, s5;
	[dreg:$0x0] =	wrdreg $0x0  }
0xa8: {  	s5 =	sshll.u32 s28, $0x1;
	[dreg:$0x2] =	wrdreg s3  }
0xa9: {  	[dreg:$0x3] =	wrdreg s5  }
0xaa: {  	[dreg:$0x4] =	wrdreg $0xC0  }
0xab: {  	_ =	task [dreg:s7], $0x5FFFF  }
0xac: {  	[dreg:$0x1] =	wrdreg $0xFFFFFFFF  }
0xad: {  	[dreg:$0x0] =	wrdreg $0x60  }
0xae: {  	[dreg:$0x2] =	wrdreg s24  }
0xaf: {  	[dreg:$0x3] =	wrdreg s2  }
0xb0: {  	[dreg:$0x4] =	wrdreg $0x9  }
0xb1: {  	_ =	task.clear_ibuf [dreg:s7], $0x5FFFF;
	_ =	strace $0x90000046  }
0xb2: {  	s29 =	simm.s32 $0x9;
	_ =	strace $0x80000048  }
0xb3: {  	_ =	swait.ge [sflag:s29], $0x1  }
0xb4: {  	[sflag:s29] =	ssyncadd.s32 $0xFFFFFFFF  }
0xb5: {  	_ =	strace $0x90000048  }
0xb6: {  	_ =	sfence  }
0xb7: {  	s30 =	sld [smem:$0x0];
	_ =	sdelay $0x2  }
0xb8: {  	s31 =	sshll.u32 s1, $0xD;
	s1 =	sshrl.u32 s1, $0x2  }
0xb9: {  	s3 =	sand.u32 $0x4000, s31;
	s1 =	sadd.s32 s1, s30  }
0xba: {  	s0 =	sor.u32 s3, s0;
	s1 =	sshll.u32 s1, $0x11  }
0xbb: {  	s0 =	sor.u32 s1, s0  }
0xbc: {  	s0 =	sadd.s32 $0x8F2B, s0  }
0xbd: {  	[sflag:s0] =	ssyncadd.remote.s32 $0x1  }
0xbe: {  	_ =	sfence.sel $0xFFFF  }
0xbf: {  	[dreg:$0x0] =	wrdreg $0xFFFFFFFF;
	(pc) =	sbr.abs _section_cstart, $3  }
0xc0: {  	[dreg:$0x1] =	wrdreg $0xFFFFFFFF  }
0xc1: {  	_ =	task.clear_ibuf [dreg:s7], $0x2FFFF;
	_ =	strace $0x9FFFFFFF  }
0xc2: {  	(tm) =	ssettm $0x7FFFFFFF  }
0xc3: {  	_ =	shalt  }
tec
execute0_lowered:
.L_overlay_start_1:
0x0: {  	(tag) =	ssettag $0x1  }
0x1: {  	s0 =	rddreg [dreg:$0x0]  }
0x2: {  	s2 =	rddreg [dreg:$0x1];
	s5 =	stileid.u32  }
0x3: {  	s3 =	simm.s32 $0x0;
	s1 =	srdreg.scid;
	s28 =	simm.s32 $0x8800  }
0x4: {  	s29 =	simm.s32 $0x180;
	s30 =	simm.s32 $0xC800;
	s31 =	simm.s32 $0x1  }
0x5: {  	s15 =	simm.s32 $0x380;
	s16 =	simm.s32 $0x400;
	s4 =	smul.u32 $0x9, s5  }
0x6: {  	[smem:$0x7FF] =	sst s3;
	s1 =	sand.u32 $0x1, s1;
	s5 =	sshll.u32 s5, $0x4  }
0x7: {  	p0 =	seq.s32 s1, $0x0;
	s6 =	ssub.s32 $0x2, s1;
	s4 =	sor.u32 $0x100, s4  }
0x8: {  	_ =	strace $0x80000047;
	s21 =	sshrl.u32 s6, $0x1;
	s4 =	smov.u32 @p0 s5  }
0x9: {  	s13 =	ssub.s32 s6, s21;
	p0 =	sne.s32 s1, $0x0;
	s5 =	sshll.u32 s4, $0x4  }
0xa: {  	s1 =	simm.s32 $0x280;
	s4 =	sshll.u32 s4, $0xB;
	s5 =	sadd.s32 s5, s0  }
0xb: {  	s21 =	smax.u32 s13, $0x1;
	s0 =	sadd.s32 s4, s0;
	s4 =	sadd.s32 $0xA00, s5  }
0xc: {  	s5 =	sadd.s32 $0x2400, s0;
	s6 =	sadd.s32 $0x2C00, s0;
	s7 =	sadd.s32 $0x3400, s0  }
0xd: {  	s8 =	sadd.s32 $0x3C00, s0;
	s9 =	sadd.s32 $0x4400, s0;
	s14 =	sadd.s32 $0x6C00, s0  }
0xe: {  	s10 =	sadd.s32 $0x4C00, s0;
	s22 =	sadd.s32 $0x7400, s0;
	[dreg:$0x3] =	wrdreg s14  }
0xf: {  	s11 =	sadd.s32 $0x5400, s0;
	s23 =	sadd.s32 $0x7C00, s0;
	[dreg:$0x4] =	wrdreg s22  }
0x10: {  	s12 =	sadd.s32 $0x5C00, s0;
	s24 =	sadd.s32 $0x8400, s0;
	[dreg:$0x5] =	wrdreg s23  }
.Ltmp0:
0x11: {  	s25 =	sadd.s32 $0x8C00, s0;
	[dreg:$0x6] =	wrdreg s24;
	(pc) =	sbr.rel .LBB2_1-.Ltmp0, $4  }
0x12: {  	s18 =	sadd.s32 $0x6400, s0;
	s26 =	sadd.s32 $0x9400, s0;
	[dreg:$0x7] =	wrdreg s25  }
0x13: {  	s20 =	sadd.s32 $0x9C00, s0;
	s0 =	simm.s32 $0x200;
	[dreg:$0x8] =	wrdreg s26  }
0x14: {  	s22 =	simm.s32 $0x2;
	s23 =	simm.s32 $0x80;
	s24 =	simm.s32 $0x800  }
0x15: {  	s25 =	simm.s32 $0x4800;
	s26 =	simm.s32 $0x100;
	s14 =	simm.s32 $0x300  }
.LBB2_3:
0x16: {  	_ =	swait.ge [sflag:s31], $0x4000;
	s21 =	sadd.s32 $0xFFFFFFFF, s21  }
0x17: {  	[sflag:s31] =	ssyncset.done $0x0;
	p1 =	sne.s32 s21, $0x0  }
.Ltmp1:
0x18: {  	[sflag:s31] =	ssyncadd.s32 $0xFFFFC000;
	(pc) =	sbr.rel @!p1 .LBB2_4-.Ltmp1, $4  }
0x19: {  	[hbm4b:s13+s3] =	stream.linear.scatter [tilespmem:s17], [sflag:$0x2], $0x4000, $0x38;
	[tilespmem:$0x10800] =	vst v63  }
0x1a: {  	_ =	swait.ge [sflag:s22], $0x4000  }
0x1b: {  	[sflag:s22] =	ssyncset.done $0x0  }
0x1c: {  	[sflag:s22] =	ssyncadd.s32 $0xFFFFC000  }
.LBB2_1:
0x1d: {  	[tilespmem:s3], [sflag:$0x2] =	stream.linear.gather [hbm4b:s4+s3], $0x800, $0x38;
	[tilespmem:$0x10800] =	vst v63  }
0x1e: {  	_ =	swait.ge [sflag:s22], $0x800  }
0x1f: {  	[sflag:s22] =	ssyncset.done $0x0  }
0x20: {  	[sflag:s22] =	ssyncadd.s32 $0xFFFFF800  }
0x21: {  	[tilespmem:s24], [sflag:$0x1] =	stream.indirect.gather [hbm4b:s2+s23], $0x80, s3, s23, $0xb8;
	[tilespmem:$0x10800] =	vst v63  }
0x22: {  	_ = 	snop  }
0x23: {  	[tilespmem:s25], [sflag:$0x1] =	stream.indirect.gather [hbm4b:s2+s23], $0x80, s23, s23, $0xb8;
	[tilespmem:$0x10800] =	vst v63  }
0x24: {  	_ = 	snop  }
0x25: {  	[tilespmem:s28], [sflag:$0x1] =	stream.indirect.gather [hbm4b:s2+s23], $0x80, s26, s23, $0xb8;
	[tilespmem:$0x10800] =	vst v63  }
0x26: {  	_ = 	snop  }
0x27: {  	[tilespmem:s30], [sflag:$0x1] =	stream.indirect.gather [hbm4b:s2+s23], $0x80, s29, s23, $0xb8;
	[tilespmem:$0x10800] =	vst v63  }
0x28: {  	_ =	swait.ge [sflag:s31], $0x4000  }
0x29: {  	[sflag:s31] =	ssyncset.done $0x0  }
0x2a: {  	[sflag:s31] =	ssyncadd.s32 $0xFFFFC000  }
0x2b: {  	[hbm4b:s5+s3] =	stream.linear.scatter [tilespmem:s24], [sflag:$0x2], $0x4000, $0x38;
	[tilespmem:$0x10800] =	vst v63  }
0x2c: {  	_ =	swait.ge [sflag:s22], $0x4000  }
0x2d: {  	[sflag:s22] =	ssyncset.done $0x0  }
0x2e: {  	[sflag:s22] =	ssyncadd.s32 $0xFFFFC000  }
0x2f: {  	[tilespmem:s24], [sflag:$0x1] =	stream.indirect.gather [hbm4b:s2+s23], $0x80, s0, s23, $0xb8;
	[tilespmem:$0x10800] =	vst v63  }
0x30: {  	_ =	swait.ge [sflag:s31], $0x4000  }
0x31: {  	[sflag:s31] =	ssyncset.done $0x0  }
0x32: {  	[sflag:s31] =	ssyncadd.s32 $0xFFFFC000  }
0x33: {  	[hbm4b:s6+s3] =	stream.linear.scatter [tilespmem:s25], [sflag:$0x2], $0x4000, $0x38;
	[tilespmem:$0x10800] =	vst v63  }
0x34: {  	_ =	swait.ge [sflag:s22], $0x4000  }
0x35: {  	[sflag:s22] =	ssyncset.done $0x0  }
0x36: {  	[sflag:s22] =	ssyncadd.s32 $0xFFFFC000  }
0x37: {  	[tilespmem:s25], [sflag:$0x1] =	stream.indirect.gather [hbm4b:s2+s23], $0x80, s1, s23, $0xb8;
	[tilespmem:$0x10800] =	vst v63  }
0x38: {  	_ =	swait.ge [sflag:s31], $0x4000  }
0x39: {  	[sflag:s31] =	ssyncset.done $0x0  }
0x3a: {  	[sflag:s31] =	ssyncadd.s32 $0xFFFFC000  }
0x3b: {  	[hbm4b:s7+s3] =	stream.linear.scatter [tilespmem:s28], [sflag:$0x2], $0x4000, $0x38;
	[tilespmem:$0x10800] =	vst v63  }
0x3c: {  	_ =	swait.ge [sflag:s22], $0x4000  }
0x3d: {  	[sflag:s22] =	ssyncset.done $0x0  }
0x3e: {  	[sflag:s22] =	ssyncadd.s32 $0xFFFFC000  }
0x3f: {  	[tilespmem:s28], [sflag:$0x1] =	stream.indirect.gather [hbm4b:s2+s23], $0x80, s14, s23, $0xb8;
	[tilespmem:$0x10800] =	vst v63  }
0x40: {  	_ =	swait.ge [sflag:s31], $0x4000  }
0x41: {  	[sflag:s31] =	ssyncset.done $0x0  }
0x42: {  	[sflag:s31] =	ssyncadd.s32 $0xFFFFC000  }
0x43: {  	[hbm4b:s8+s3] =	stream.linear.scatter [tilespmem:s30], [sflag:$0x2], $0x4000, $0x38;
	[tilespmem:$0x10800] =	vst v63  }
0x44: {  	_ =	swait.ge [sflag:s22], $0x4000  }
0x45: {  	[sflag:s22] =	ssyncset.done $0x0  }
0x46: {  	[sflag:s22] =	ssyncadd.s32 $0xFFFFC000  }
0x47: {  	[tilespmem:s30], [sflag:$0x1] =	stream.indirect.gather [hbm4b:s2+s23], $0x80, s15, s23, $0xb8;
	[tilespmem:$0x10800] =	vst v63  }
0x48: {  	_ =	swait.ge [sflag:s31], $0x4000  }
0x49: {  	[sflag:s31] =	ssyncset.done $0x0  }
0x4a: {  	[sflag:s31] =	ssyncadd.s32 $0xFFFFC000  }
0x4b: {  	[hbm4b:s9+s3] =	stream.linear.scatter [tilespmem:s24], [sflag:$0x2], $0x4000, $0x38;
	[tilespmem:$0x10800] =	vst v63  }
0x4c: {  	_ =	swait.ge [sflag:s22], $0x4000  }
0x4d: {  	[sflag:s22] =	ssyncset.done $0x0  }
0x4e: {  	[sflag:s22] =	ssyncadd.s32 $0xFFFFC000  }
0x4f: {  	[tilespmem:s24], [sflag:$0x1] =	stream.indirect.gather [hbm4b:s2+s23], $0x80, s16, s23, $0xb8;
	[tilespmem:$0x10800] =	vst v63  }
0x50: {  	_ =	swait.ge [sflag:s31], $0x4000  }
0x51: {  	[sflag:s31] =	ssyncset.done $0x0  }
0x52: {  	[sflag:s31] =	ssyncadd.s32 $0xFFFFC000  }
0x53: {  	[hbm4b:s10+s3] =	stream.linear.scatter [tilespmem:s25], [sflag:$0x2], $0x4000, $0x38;
	[tilespmem:$0x10800] =	vst v63  }
0x54: {  	_ =	swait.ge [sflag:s22], $0x4000  }
0x55: {  	[sflag:s22] =	ssyncset.done $0x0  }
0x56: {  	s13 =	simm.s32 @p0 $0x1;
	[sflag:s22] =	ssyncadd.s32 $0xFFFFC000  }
0x57: {  	_ =	swait.ge @p0 [sflag:s13], $0x4000  }
0x58: {  	[sflag:s13] =	ssyncset.done @p0 $0x0  }
0x59: {  	s17 =	simm.s32 @p0 $0x8800;
	[sflag:s13] =	ssyncadd.s32 @p0 $0xFFFFC000;
	s13 =	simm.s32 @p0 $0x0  }
0x5a: {  	[hbm4b:s11+s13] =	stream.linear.scatter @p0 [tilespmem:s17], [sflag:$0x2], $0x4000, $0x38;
	[tilespmem:$0x10800] =	vst v63  }
0x5b: {  	s13 =	simm.s32 @p0 $0x2  }
0x5c: {  	_ =	swait.ge @p0 [sflag:s13], $0x4000  }
0x5d: {  	s19 =	simm.s32 @!p0 $0x4800;
	[sflag:s13] =	ssyncset.done @p0 $0x0  }
0x5e: {  	s17 =	simm.s32 @!p0 $0x480;
	[sflag:s13] =	ssyncadd.s32 @p0 $0xFFFFC000;
	s13 =	simm.s32 @!p0 $0x80  }
0x5f: {  	[tilespmem:s19], [sflag:$0x1] =	stream.indirect.gather @!p0 [hbm4b:s2+s13], $0x80, s17, s13, $0xb8;
	[tilespmem:$0x10800] =	vst v63  }
0x60: {  	s17 =	simm.s32 @!p0 $0x1  }
0x61: {  	_ =	swait.ge @!p0 [sflag:s17], $0x4000  }
0x62: {  	[sflag:s17] =	ssyncset.done @!p0 $0x0  }
0x63: {  	s19 =	simm.s32 @!p0 $0x8800;
	[sflag:s17] =	ssyncadd.s32 @!p0 $0xFFFFC000;
	s17 =	simm.s32 @!p0 $0x0  }
0x64: {  	[hbm4b:s11+s17] =	stream.linear.scatter @!p0 [tilespmem:s19], [sflag:$0x2], $0x4000, $0x38;
	[tilespmem:$0x10800] =	vst v63  }
0x65: {  	s17 =	simm.s32 @!p0 $0x2  }
0x66: {  	_ =	swait.ge @!p0 [sflag:s17], $0x4000  }
0x67: {  	[sflag:s17] =	ssyncset.done @!p0 $0x0  }
0x68: {  	[sflag:s17] =	ssyncadd.s32 @!p0 $0xFFFFC000;
	s17 =	simm.s32 @!p0 $0x500  }
0x69: {  	[tilespmem:s19], [sflag:$0x1] =	stream.indirect.gather @!p0 [hbm4b:s2+s13], $0x80, s17, s13, $0xb8;
	[tilespmem:$0x10800] =	vst v63  }
0x6a: {  	_ =	swait.ge [sflag:s31], $0x4000  }
0x6b: {  	[sflag:s31] =	ssyncset.done $0x0  }
.Ltmp2:
0x6c: {  	[sflag:s31] =	ssyncadd.s32 $0xFFFFC000;
	(pc) =	sbr.rel @p0 .LBB2_3-.Ltmp2, $4  }
0x6d: {  	[hbm4b:s12+s3] =	stream.linear.scatter [tilespmem:s30], [sflag:$0x2], $0x4000, $0x38;
	[tilespmem:$0x10800] =	vst v63  }
0x6e: {  	_ =	swait.ge [sflag:s22], $0x4000  }
0x6f: {  	[sflag:s22] =	ssyncset.done $0x0  }
0x70: {  	s13 =	smov.u32 s18;
	s17 =	simm.s32 $0x800;
	[sflag:s22] =	ssyncadd.s32 $0xFFFFC000  }
0x71: {  	s17 =	simm.s32 $0xC800;
	s13 =	simm.s32 $0x580  }
0x72: {  	[tilespmem:s17], [sflag:$0x1] =	stream.indirect.gather [hbm4b:s2+s23], $0x80, s13, s23, $0xb8;
	[tilespmem:$0x10800] =	vst v63  }
0x73: {  	_ =	swait.ge [sflag:s31], $0x4000  }
0x74: {  	[sflag:s31] =	ssyncset.done $0x0  }
0x75: {  	[sflag:s31] =	ssyncadd.s32 $0xFFFFC000  }
0x76: {  	[hbm4b:s18+s3] =	stream.linear.scatter [tilespmem:s24], [sflag:$0x2], $0x4000, $0x38;
	[tilespmem:$0x10800] =	vst v63  }
0x77: {  	_ =	swait.ge [sflag:s22], $0x4000  }
0x78: {  	[sflag:s22] =	ssyncset.done $0x0  }
0x79: {  	s19 =	simm.s32 $0x600;
	[sflag:s22] =	ssyncadd.s32 $0xFFFFC000  }
0x7a: {  	[tilespmem:s24], [sflag:$0x1] =	stream.indirect.gather [hbm4b:s2+s23], $0x80, s19, s23, $0xb8;
	[tilespmem:$0x10800] =	vst v63  }
0x7b: {  	_ =	swait.ge [sflag:s31], $0x4000  }
0x7c: {  	[sflag:s31] =	ssyncset.done $0x0  }
0x7d: {  	s19 =	rddreg [dreg:$0x3];
	[sflag:s31] =	ssyncadd.s32 $0xFFFFC000  }
0x7e: {  	[hbm4b:s19+s3] =	stream.linear.scatter [tilespmem:s25], [sflag:$0x2], $0x4000, $0x38;
	[tilespmem:$0x10800] =	vst v63  }
0x7f: {  	_ =	swait.ge [sflag:s22], $0x4000  }
0x80: {  	[sflag:s22] =	ssyncset.done $0x0  }
0x81: {  	s19 =	simm.s32 $0x680;
	[sflag:s22] =	ssyncadd.s32 $0xFFFFC000  }
0x82: {  	[tilespmem:s25], [sflag:$0x1] =	stream.indirect.gather [hbm4b:s2+s23], $0x80, s19, s23, $0xb8;
	[tilespmem:$0x10800] =	vst v63  }
0x83: {  	_ =	swait.ge [sflag:s31], $0x4000  }
0x84: {  	[sflag:s31] =	ssyncset.done $0x0  }
0x85: {  	s19 =	rddreg [dreg:$0x4];
	[sflag:s31] =	ssyncadd.s32 $0xFFFFC000  }
0x86: {  	[hbm4b:s19+s3] =	stream.linear.scatter [tilespmem:s28], [sflag:$0x2], $0x4000, $0x38;
	[tilespmem:$0x10800] =	vst v63  }
0x87: {  	_ =	swait.ge [sflag:s22], $0x4000  }
0x88: {  	[sflag:s22] =	ssyncset.done $0x0  }
0x89: {  	s19 =	simm.s32 $0x700;
	[sflag:s22] =	ssyncadd.s32 $0xFFFFC000  }
0x8a: {  	[tilespmem:s28], [sflag:$0x1] =	stream.indirect.gather [hbm4b:s2+s23], $0x80, s19, s23, $0xb8;
	[tilespmem:$0x10800] =	vst v63  }
0x8b: {  	_ =	swait.ge [sflag:s31], $0x4000  }
0x8c: {  	[sflag:s31] =	ssyncset.done $0x0  }
0x8d: {  	s19 =	rddreg [dreg:$0x5];
	[sflag:s31] =	ssyncadd.s32 $0xFFFFC000  }
0x8e: {  	[hbm4b:s19+s3] =	stream.linear.scatter [tilespmem:s17], [sflag:$0x2], $0x4000, $0x38;
	[tilespmem:$0x10800] =	vst v63  }
0x8f: {  	_ =	swait.ge [sflag:s22], $0x4000  }
0x90: {  	[sflag:s22] =	ssyncset.done $0x0  }
0x91: {  	s19 =	simm.s32 $0x780;
	[sflag:s22] =	ssyncadd.s32 $0xFFFFC000  }
0x92: {  	[tilespmem:s17], [sflag:$0x1] =	stream.indirect.gather [hbm4b:s2+s23], $0x80, s19, s23, $0xb8;
	[tilespmem:$0x10800] =	vst v63  }
0x93: {  	_ =	swait.ge [sflag:s31], $0x4000  }
0x94: {  	[sflag:s31] =	ssyncset.done $0x0  }
0x95: {  	s19 =	rddreg [dreg:$0x6];
	[sflag:s31] =	ssyncadd.s32 $0xFFFFC000  }
0x96: {  	[hbm4b:s19+s3] =	stream.linear.scatter [tilespmem:s24], [sflag:$0x2], $0x4000, $0x38;
	[tilespmem:$0x10800] =	vst v63  }
0x97: {  	_ =	swait.ge [sflag:s22], $0x4000  }
0x98: {  	[sflag:s22] =	ssyncset.done $0x0  }
0x99: {  	[sflag:s22] =	ssyncadd.s32 $0xFFFFC000  }
0x9a: {  	_ =	swait.ge [sflag:s31], $0x4000  }
0x9b: {  	[sflag:s31] =	ssyncset.done $0x0  }
0x9c: {  	s19 =	rddreg [dreg:$0x7];
	[sflag:s31] =	ssyncadd.s32 $0xFFFFC000  }
0x9d: {  	[hbm4b:s19+s3] =	stream.linear.scatter [tilespmem:s25], [sflag:$0x2], $0x4000, $0x38;
	[tilespmem:$0x10800] =	vst v63  }
0x9e: {  	_ =	swait.ge [sflag:s22], $0x4000  }
0x9f: {  	[sflag:s22] =	ssyncset.done $0x0  }
0xa0: {  	[sflag:s22] =	ssyncadd.s32 $0xFFFFC000  }
0xa1: {  	_ =	swait.ge [sflag:s31], $0x4000  }
0xa2: {  	[sflag:s31] =	ssyncset.done $0x0  }
.Ltmp3:
0xa3: {  	s19 =	rddreg [dreg:$0x8];
	[sflag:s31] =	ssyncadd.s32 $0xFFFFC000;
	(pc) =	sbr.rel .LBB2_3-.Ltmp3, $4  }
0xa4: {  	[hbm4b:s19+s3] =	stream.linear.scatter [tilespmem:s28], [sflag:$0x2], $0x4000, $0x38;
	[tilespmem:$0x10800] =	vst v63  }
0xa5: {  	_ =	swait.ge [sflag:s22], $0x4000  }
0xa6: {  	[sflag:s22] =	ssyncset.done $0x0  }
0xa7: {  	s13 =	smov.u32 s20;
	[sflag:s22] =	ssyncadd.s32 $0xFFFFC000  }
.LBB2_4:
0xa8: {  	_ =	sfence.sel $0x180000  }
0xa9: {  	[bflag:$0x0] =	sbarrier.arrive $0xFFFF  }
0xaa: {  	_ =	strace $0x90000047  }
0xab: {  	s0 =	stileid.u32;
	[bflag:$0x2] =	sbarrier.arrive $0xFFFF  }
0xac: {  	p0 =	sne.s32 s0, $0x0;
	s0 =	rddreg [dreg:$0x2]  }
0xad: {  	s0 =	sadd.s32 @!p0 $0x100000, s0  }
0xae: {  	[sflag:s0] =	ssyncadd.tile.s32 @!p0 $0x1;
	_ =	shalt  }
.Lfunc_end2:
_tile_overlayer_lowered:
.L_overlay_start_2:
0xaf: {  	(tag) =	ssettag $0x2  }
0xb0: {  	s0 =	rddreg [dreg:$0x0];
	s2 =	stileid.u32  }
0xb1: {  	s1 =	rddreg [dreg:$0x1];
	p0 =	sne.s32 s2, $0x0  }
0xb2: {  	s3 =	rddreg [dreg:$0x2];
	[bflag:$0x3] =	sbarrier.arrive $0xFFFF;
	s2 =	simm.s32 @!p0 $0x1C02  }
0xb3: {  	[timem:s3], [sflag:s2] =	dma.local @!p0 [hbm:s0], s1  }
0xb4: {  	s0 =	simm.s32 @!p0 $0x2  }
0xb5: {  	_ =	swait.ge @!p0 [sflag:s0], s1  }
0xb6: {  	s1 =	ssub.s32 @!p0 $0x0, s1;
	[sflag:s0] =	ssyncset.done @!p0 $0x0  }
0xb7: {  	[sflag:s0] =	ssyncadd.s32 @!p0 s1  }
0xb8: {  	[bflag:$0x3] =	sbarrier.arrive $0xFFFF  }
0xb9: {  	_ =	shalt  }

</sc_bundles>
